<compile_context>
chip_gen: v7x
topology: tpu7x:2x2x1
jax: 0.10.2.dev20260603
libtpu: 0.0.44.dev20260713+nightly
codegen_flags: <defaults>
</compile_context>

<pallas_src>
import functools

import jax
import jax.numpy as jnp
from jax import lax
from jax.experimental import pallas as pl
from jax.experimental.pallas import tpu as pltpu
from jax.experimental.pallas import tpu_sc as plsc

BATCH = 16384
FEAT_DIM = 1024
EMBED_SIZE = 128

NUM_CORES = 2
NUM_SUBCORES = 16
NUM_WORKERS = NUM_CORES * NUM_SUBCORES
ROWS_PER_WORKER = BATCH // NUM_WORKERS

SLICE0 = 12288
SLICE1 = BATCH - SLICE0

NBUF = 4
FEAT_CHUNK = 16
EMB_CHUNK = 64
N_EMB_CHUNKS = ROWS_PER_WORKER // EMB_CHUNK

_MESH = plsc.VectorSubcoreMesh(core_axis_name="c", subcore_axis_name="s")


def _pipe_gather(table_hbm, idx_v, out_hbm, out_base, chunk, nch,
                 bufs, gsems, osems):
    nbuf = len(bufs)

    def start_gather(c, b):
        pltpu.async_copy(
            table_hbm.at[idx_v.at[pl.ds(c * chunk, chunk)]], bufs[b],
            gsems[b])

    def wait_gather(b):
        pltpu.make_async_copy(
            table_hbm.at[idx_v.at[pl.ds(0, chunk)]], bufs[b],
            gsems[b]).wait()

    def start_out(c, b):
        pltpu.async_copy(
            bufs[b], out_hbm.at[pl.ds(out_base + c * chunk, chunk)],
            osems[b])

    def wait_out(c, b):
        pltpu.make_async_copy(
            bufs[b], out_hbm.at[pl.ds(out_base + c * chunk, chunk)],
            osems[b]).wait()

    for b in range(nbuf):
        start_gather(b, b)
    if nch > nbuf:
        @pl.loop(0, nch - nbuf, step=nbuf)
        def _(c):
            for b in range(nbuf):
                cc = c + b
                wait_gather(b)
                start_out(cc, b)
                wait_out(cc, b)
                start_gather(cc + nbuf, b)
    for b in range(nbuf):
        cc = nch - nbuf + b
        wait_gather(b)
        start_out(cc, b)
        wait_out(cc, b)


def _feat_scratch(per_worker):
    return (
        [pltpu.VMEM((per_worker,), jnp.int32)]
        + [pltpu.VMEM((FEAT_CHUNK, FEAT_DIM), jnp.float32)] * NBUF
        + [pltpu.SemaphoreType.DMA] * (2 * NBUF)
    )


@functools.partial(
    pl.kernel,
    mesh=_MESH,
    out_type=[
        jax.ShapeDtypeStruct((SLICE0, FEAT_DIM), jnp.float32),
        jax.ShapeDtypeStruct((2 * BATCH, EMBED_SIZE), jnp.float32),
    ],
    scratch_types=_feat_scratch(SLICE0 // NUM_WORKERS) + [
        pltpu.VMEM((ROWS_PER_WORKER,), jnp.int32),
    ] + [pltpu.VMEM((EMB_CHUNK, EMBED_SIZE), jnp.float32)] * NBUF,
)
def _gather_feat0_emb(feat_hbm, emb_hbm, idxf_hbm, idxe_hbm,
                      feats_hbm, out_hbm,
                      idxf_v, *rest):
    fbufs = rest[:NBUF]
    gsems = rest[NBUF:2 * NBUF]
    osems = rest[2 * NBUF:3 * NBUF]
    idxe_v = rest[3 * NBUF]
    ebufs = rest[3 * NBUF + 1:]
    wid = lax.axis_index("s") * NUM_CORES + lax.axis_index("c")
    per_worker = SLICE0 // NUM_WORKERS
    fbase = wid * per_worker
    ebase = wid * ROWS_PER_WORKER
    pltpu.sync_copy(idxf_hbm.at[pl.ds(fbase, per_worker)], idxf_v)
    pltpu.sync_copy(idxe_hbm.at[pl.ds(ebase, ROWS_PER_WORKER)], idxe_v)
    _pipe_gather(feat_hbm, idxf_v, feats_hbm, fbase, FEAT_CHUNK,
                 per_worker // FEAT_CHUNK, fbufs, gsems, osems)
    _pipe_gather(emb_hbm, idxe_v, out_hbm, BATCH + ebase, EMB_CHUNK,
                 N_EMB_CHUNKS, ebufs, gsems, osems)


@functools.partial(
    pl.kernel,
    mesh=_MESH,
    out_type=jax.ShapeDtypeStruct((SLICE1, FEAT_DIM), jnp.float32),
    scratch_types=_feat_scratch(SLICE1 // NUM_WORKERS),
)
def _gather_feat1(feat_hbm, idxf_hbm, feats_hbm, idxf_v, *rest):
    fbufs = rest[:NBUF]
    gsems = rest[NBUF:2 * NBUF]
    osems = rest[2 * NBUF:3 * NBUF]
    wid = lax.axis_index("s") * NUM_CORES + lax.axis_index("c")
    per_worker = SLICE1 // NUM_WORKERS
    fbase = wid * per_worker
    pltpu.sync_copy(idxf_hbm.at[pl.ds(SLICE0 + fbase, per_worker)], idxf_v)
    _pipe_gather(feat_hbm, idxf_v, feats_hbm, fbase, FEAT_CHUNK,
                 per_worker // FEAT_CHUNK, fbufs, gsems, osems)


_PROJ_BLK = 2048


def _proj_body(feats_ref, w_ref, b_ref, prev_ref, out_ref):
    del prev_ref
    acc = lax.dot_general(
        feats_ref[...].astype(jnp.bfloat16),
        w_ref[...].astype(jnp.bfloat16),
        (((1,), (1,)), ((), ())),
        preferred_element_type=jnp.float32,
    )
    out_ref[...] = acc + b_ref[...]


def _project_into(feats, w, b2d, prev, row_off):
    nblk = feats.shape[0] // _PROJ_BLK
    return pl.pallas_call(
        _proj_body,
        grid=(nblk,),
        in_specs=[
            pl.BlockSpec((_PROJ_BLK, FEAT_DIM), lambda i: (i, 0)),
            pl.BlockSpec((EMBED_SIZE, FEAT_DIM), lambda i: (0, 0)),
            pl.BlockSpec((1, EMBED_SIZE), lambda i: (0, 0)),
            pl.BlockSpec(memory_space=pl.ANY),
        ],
        out_specs=pl.BlockSpec(
            (_PROJ_BLK, EMBED_SIZE),
            lambda i, off=row_off // _PROJ_BLK: (i + off, 0)),
        out_shape=jax.ShapeDtypeStruct((2 * BATCH, EMBED_SIZE), jnp.float32),
        input_output_aliases={3: 0},
    )(feats, w, b2d, prev)


def kernel(idx_feat, idx_nofeat, feat_table, W_proj, b_proj, emb_table):
    idx_feat = idx_feat.astype(jnp.int32)
    idx_nofeat = idx_nofeat.astype(jnp.int32)
    b2d = b_proj.reshape(1, EMBED_SIZE)

    feats0, out = _gather_feat0_emb(feat_table, emb_table, idx_feat,
                                    idx_nofeat)
    feats1 = _gather_feat1(feat_table, idx_feat)
    out = _project_into(feats0, W_proj, b2d, out, 0)
    out = _project_into(feats1, W_proj, b2d, out, SLICE0)
    return out

# --- scband reference (transcript-rebuilt; emitter-appended) ---
"""Pipeline reference for scband-dist-embed-layer-29145648070961 (READ-ONLY COPY).

The authoritative reference and input builder live on the scoring server;
editing this copy changes nothing except your own understanding.
"""

import jax, jax.numpy as jnp
import numpy as np

VOCAB_FEAT = 100000
VOCAB_NOFEAT = 100000
FEAT_DIM = 1024
EMBED_SIZE = 128
BATCH = 16384


def setup_inputs(seed: int = 0) -> dict:
    key = jax.random.key(seed)
    k1, k2, k3, k4, k5, k6 = jax.random.split(key, 6)
    idx_feat = jax.random.randint(k1, (BATCH,), 0, VOCAB_FEAT, dtype=jnp.int64 if jax.config.jax_enable_x64 else jnp.int32)
    idx_nofeat = jax.random.randint(k2, (BATCH,), 0, VOCAB_NOFEAT, dtype=jnp.int64 if jax.config.jax_enable_x64 else jnp.int32)
    # learned / stored parameters
    feat_table = jax.random.uniform(k3, (VOCAB_FEAT, FEAT_DIM), dtype=jnp.float32, minval=-1.0, maxval=1.0)
    # xavier uniform init for the projection, like nn.init.xavier_uniform_
    limit = float(np.sqrt(6.0 / (FEAT_DIM + EMBED_SIZE)))
    W_proj = jax.random.uniform(k4, (EMBED_SIZE, FEAT_DIM), dtype=jnp.float32, minval=-limit, maxval=limit)
    b_proj = jnp.zeros((EMBED_SIZE,), dtype=jnp.float32)
    # sparse embedding table for featureless node type, uniform(-1, 1) like init_emb
    emb_table = jax.random.uniform(k5, (VOCAB_NOFEAT, EMBED_SIZE), dtype=jnp.float32, minval=-1.0, maxval=1.0)
    return {
        'idx_feat': idx_feat,
        'idx_nofeat': idx_nofeat,
        'feat_table': feat_table,
        'W_proj': W_proj,
        'b_proj': b_proj,
        'emb_table': emb_table,
    }


def reference(idx_feat, idx_nofeat, feat_table, W_proj, b_proj, emb_table):
    # ntype with features: fetch raw features (gather) then project to embed_size
    feats = jnp.take(feat_table, idx_feat, axis=0)            # [B, FEAT_DIM] gather
    h_feat = feats @ W_proj.T + b_proj                         # nn.Linear(feat_dim, embed_size)
    # featureless ntype: learned sparse embedding lookup
    h_emb = jnp.take(emb_table, idx_nofeat, axis=0)           # [B, EMBED_SIZE] gather
    # stack the per-ntype outputs (dict of ntype -> emb in the original; concat here)
    out = jnp.concatenate([h_feat, h_emb], axis=0)             # [2B, EMBED_SIZE]
    return out

if __name__ == "__main__":
    import jax
    _d = setup_inputs()
    print(jax.jit(kernel)(*tuple(_d.values())))

</pallas_src>

<mosaic_0001>
#map = affine_map<(d0, d1) -> (0, 0)>
#map1 = affine_map<(d0, d1) -> (0)>
module attributes {stable_mosaic.version = 14 : i64} {
  func.func @_gather_feat1(%arg0: i32, %arg1: i32, %arg2: memref<100000x1024xf32, #tpu.memory_space<hbm>>, %arg3: memref<16384xi32, #tpu.memory_space<hbm>>, %arg4: memref<4096x1024xf32, #tpu.memory_space<hbm>>, %arg5: memref<128xi32, #tpu.memory_space<vmem>>, %arg6: memref<16x1024xf32, #tpu.memory_space<vmem>>, %arg7: memref<16x1024xf32, #tpu.memory_space<vmem>>, %arg8: memref<16x1024xf32, #tpu.memory_space<vmem>>, %arg9: memref<16x1024xf32, #tpu.memory_space<vmem>>, %arg10: memref<!tpu.dma_semaphore, #tpu.memory_space<semaphore_mem>>, %arg11: memref<!tpu.dma_semaphore, #tpu.memory_space<semaphore_mem>>, %arg12: memref<!tpu.dma_semaphore, #tpu.memory_space<semaphore_mem>>, %arg13: memref<!tpu.dma_semaphore, #tpu.memory_space<semaphore_mem>>, %arg14: memref<!tpu.dma_semaphore, #tpu.memory_space<semaphore_mem>>, %arg15: memref<!tpu.dma_semaphore, #tpu.memory_space<semaphore_mem>>, %arg16: memref<!tpu.dma_semaphore, #tpu.memory_space<semaphore_mem>>, %arg17: memref<!tpu.dma_semaphore, #tpu.memory_space<semaphore_mem>>) attributes {dimension_semantics = [#tpu.dimension_semantics<core_parallel>, #tpu.dimension_semantics<subcore_parallel>], iteration_bounds = array<i64: 2, 16>, scalar_prefetch = 0 : i64, scratch_operands = 13 : i64, tpu.core_type = #tpu.core_type<sc_vector_subcore>, window_params = [{transform_indices = #map}, {transform_indices = #map1}, {transform_indices = #map}]} {
    %mul3A = arith.constant 2 : i32
    %mul3A_0 = arith.muli %arg1, %mul3A : i32
    %add3A = arith.addi %mul3A_0, %arg0 : i32
    %mul3A_1 = arith.constant 128 : i32
    %mul3A_2 = arith.muli %add3A, %mul3A_1 : i32
    %add3A_3 = arith.constant 12288 : i32
    %add3A_4 = arith.addi %add3A_3, %mul3A_2 : i32
    "tpu.region"() ({
      %run_scoped3A = tpu.sem_alloc : memref<!tpu.dma_semaphore, #tpu.memory_space<semaphore_mem>>
      %dma_start3A_212 = tpu.memref_slice %arg3[%add3A_4] : memref<16384xi32, #tpu.memory_space<hbm>> -> memref<128xi32, #tpu.memory_space<hbm>>
      %dma_start3A_213 = tpu.memref_slice %arg3[%add3A_4] : memref<16384xi32, #tpu.memory_space<hbm>> -> memref<128xi32, #tpu.memory_space<hbm>>
      tpu.enqueue_dma source(%dma_start3A_213 : memref<128xi32, #tpu.memory_space<hbm>>) target(%arg5 : memref<128xi32, #tpu.memory_space<vmem>>) target_semaphore(%run_scoped3A : memref<!tpu.dma_semaphore, #tpu.memory_space<semaphore_mem>>)
      %dma_wait3A_214 = tpu.memref_slice %arg3[%add3A_4] : memref<16384xi32, #tpu.memory_space<hbm>> -> memref<128xi32, #tpu.memory_space<hbm>>
      %dma_wait3A_215 = tpu.memref_slice %arg3[%add3A_4] : memref<16384xi32, #tpu.memory_space<hbm>> -> memref<128xi32, #tpu.memory_space<hbm>>
      tpu.wait_dma2 semaphore(%run_scoped3A : memref<!tpu.dma_semaphore, #tpu.memory_space<semaphore_mem>>) src(%dma_wait3A_215 : memref<128xi32, #tpu.memory_space<hbm>>) dst(%arg5 : memref<128xi32, #tpu.memory_space<vmem>>)
      tpu.yield
    }) : () -> ()
    %dma_start3A = arith.constant 0 : i32
    %dma_start3A_5 = tpu.memref_slice %arg5[%dma_start3A] : memref<128xi32, #tpu.memory_space<vmem>> -> memref<16xi32, #tpu.memory_space<vmem>>
    %dma_start3A_6 = arith.constant 0 : i32
    %dma_start3A_7 = arith.constant 0 : i32
    %dma_start3A_8 = tpu.memref_slice %arg2[%dma_start3A_6, %dma_start3A_7] : memref<100000x1024xf32, #tpu.memory_space<hbm>> -> memref<100000x1024xf32, #tpu.memory_space<hbm>>
    tpu.enqueue_indirect_dma source(%dma_start3A_8 : memref<100000x1024xf32, #tpu.memory_space<hbm>>) target(%arg6 : memref<16x1024xf32, #tpu.memory_space<vmem>>) offsets(%dma_start3A_5 : memref<16xi32, #tpu.memory_space<vmem>>) semaphore(%arg10 : memref<!tpu.dma_semaphore, #tpu.memory_space<semaphore_mem>>)
    %dma_start3A_9 = arith.constant 16 : i32
    %dma_start3A_10 = tpu.memref_slice %arg5[%dma_start3A_9] : memref<128xi32, #tpu.memory_space<vmem>> -> memref<16xi32, #tpu.memory_space<vmem>>
    %dma_start3A_11 = arith.constant 0 : i32
    %dma_start3A_12 = arith.constant 0 : i32
    %dma_start3A_13 = tpu.memref_slice %arg2[%dma_start3A_11, %dma_start3A_12] : memref<100000x1024xf32, #tpu.memory_space<hbm>> -> memref<100000x1024xf32, #tpu.memory_space<hbm>>
    tpu.enqueue_indirect_dma source(%dma_start3A_13 : memref<100000x1024xf32, #tpu.memory_space<hbm>>) target(%arg7 : memref<16x1024xf32, #tpu.memory_space<vmem>>) offsets(%dma_start3A_10 : memref<16xi32, #tpu.memory_space<vmem>>) semaphore(%arg11 : memref<!tpu.dma_semaphore, #tpu.memory_space<semaphore_mem>>)
    %dma_start3A_14 = arith.constant 32 : i32
    %dma_start3A_15 = tpu.memref_slice %arg5[%dma_start3A_14] : memref<128xi32, #tpu.memory_space<vmem>> -> memref<16xi32, #tpu.memory_space<vmem>>
    %dma_start3A_16 = arith.constant 0 : i32
    %dma_start3A_17 = arith.constant 0 : i32
    %dma_start3A_18 = tpu.memref_slice %arg2[%dma_start3A_16, %dma_start3A_17] : memref<100000x1024xf32, #tpu.memory_space<hbm>> -> memref<100000x1024xf32, #tpu.memory_space<hbm>>
    tpu.enqueue_indirect_dma source(%dma_start3A_18 : memref<100000x1024xf32, #tpu.memory_space<hbm>>) target(%arg8 : memref<16x1024xf32, #tpu.memory_space<vmem>>) offsets(%dma_start3A_15 : memref<16xi32, #tpu.memory_space<vmem>>) semaphore(%arg12 : memref<!tpu.dma_semaphore, #tpu.memory_space<semaphore_mem>>)
    %dma_start3A_19 = arith.constant 48 : i32
    %dma_start3A_20 = tpu.memref_slice %arg5[%dma_start3A_19] : memref<128xi32, #tpu.memory_space<vmem>> -> memref<16xi32, #tpu.memory_space<vmem>>
    %dma_start3A_21 = arith.constant 0 : i32
    %dma_start3A_22 = arith.constant 0 : i32
    %dma_start3A_23 = tpu.memref_slice %arg2[%dma_start3A_21, %dma_start3A_22] : memref<100000x1024xf32, #tpu.memory_space<hbm>> -> memref<100000x1024xf32, #tpu.memory_space<hbm>>
    tpu.enqueue_indirect_dma source(%dma_start3A_23 : memref<100000x1024xf32, #tpu.memory_space<hbm>>) target(%arg9 : memref<16x1024xf32, #tpu.memory_space<vmem>>) offsets(%dma_start3A_20 : memref<16xi32, #tpu.memory_space<vmem>>) semaphore(%arg13 : memref<!tpu.dma_semaphore, #tpu.memory_space<semaphore_mem>>)
    %scan3A = arith.constant 0 : i32
    %mul3A_24 = arith.constant 4 : i32
    %mul3A_25 = arith.muli %scan3A, %mul3A_24 : i32
    %add3A_26 = arith.constant 0 : i32
    %add3A_27 = arith.addi %add3A_26, %mul3A_25 : i32
    %add3A_28 = arith.constant 0 : i32
    %add3A_29 = arith.addi %add3A_27, %add3A_28 : i32
    %dma_wait3A = arith.constant 0 : i32
    %dma_wait3A_30 = tpu.memref_slice %arg5[%dma_wait3A] : memref<128xi32, #tpu.memory_space<vmem>> -> memref<16xi32, #tpu.memory_space<vmem>>
    %dma_wait3A_31 = arith.constant 0 : i32
    %dma_wait3A_32 = arith.constant 0 : i32
    %dma_wait3A_33 = tpu.memref_slice %arg2[%dma_wait3A_31, %dma_wait3A_32] : memref<100000x1024xf32, #tpu.memory_space<hbm>> -> memref<100000x1024xf32, #tpu.memory_space<hbm>>
    tpu.wait_indirect_dma semaphore(%arg10 : memref<!tpu.dma_semaphore, #tpu.memory_space<semaphore_mem>>) src(%dma_wait3A_33 : memref<100000x1024xf32, #tpu.memory_space<hbm>>) dst(%arg6 : memref<16x1024xf32, #tpu.memory_space<vmem>>)
    %mul3A_34 = arith.constant 16 : i32
    %mul3A_35 = arith.muli %add3A_29, %mul3A_34 : i32
    %add3A_36 = arith.addi %mul3A_2, %mul3A_35 : i32
    %dma_start3A_37 = arith.constant 0 : i32
    %dma_start3A_38 = tpu.memref_slice %arg4[%add3A_36, %dma_start3A_37] : memref<4096x1024xf32, #tpu.memory_space<hbm>> -> memref<16x1024xf32, #tpu.memory_space<hbm>>
    %dma_start3A_39 = arith.constant 0 : i32
    %dma_start3A_40 = tpu.memref_slice %arg4[%add3A_36, %dma_start3A_39] : memref<4096x1024xf32, #tpu.memory_space<hbm>> -> memref<16x1024xf32, #tpu.memory_space<hbm>>
    tpu.enqueue_dma source(%arg6 : memref<16x1024xf32, #tpu.memory_space<vmem>>) target(%dma_start3A_40 : memref<16x1024xf32, #tpu.memory_space<hbm>>) target_semaphore(%arg14 : memref<!tpu.dma_semaphore, #tpu.memory_space<semaphore_mem>>)
    %mul3A_41 = arith.constant 16 : i32
    %mul3A_42 = arith.muli %add3A_29, %mul3A_41 : i32
    %add3A_43 = arith.addi %mul3A_2, %mul3A_42 : i32
    %dma_wait3A_44 = arith.constant 0 : i32
    %dma_wait3A_45 = tpu.memref_slice %arg4[%add3A_43, %dma_wait3A_44] : memref<4096x1024xf32, #tpu.memory_space<hbm>> -> memref<16x1024xf32, #tpu.memory_space<hbm>>
    %dma_wait3A_46 = arith.constant 0 : i32
    %dma_wait3A_47 = tpu.memref_slice %arg4[%add3A_43, %dma_wait3A_46] : memref<4096x1024xf32, #tpu.memory_space<hbm>> -> memref<16x1024xf32, #tpu.memory_space<hbm>>
    tpu.wait_dma2 semaphore(%arg14 : memref<!tpu.dma_semaphore, #tpu.memory_space<semaphore_mem>>) src(%arg6 : memref<16x1024xf32, #tpu.memory_space<vmem>>) dst(%dma_wait3A_47 : memref<16x1024xf32, #tpu.memory_space<hbm>>)
    %add3A_48 = arith.constant 4 : i32
    %add3A_49 = arith.addi %add3A_29, %add3A_48 : i32
    %mul3A_50 = arith.constant 16 : i32
    %mul3A_51 = arith.muli %add3A_49, %mul3A_50 : i32
    %dma_start3A_52 = tpu.memref_slice %arg5[%mul3A_51] : memref<128xi32, #tpu.memory_space<vmem>> -> memref<16xi32, #tpu.memory_space<vmem>>
    %dma_start3A_53 = arith.constant 0 : i32
    %dma_start3A_54 = arith.constant 0 : i32
    %dma_start3A_55 = tpu.memref_slice %arg2[%dma_start3A_53, %dma_start3A_54] : memref<100000x1024xf32, #tpu.memory_space<hbm>> -> memref<100000x1024xf32, #tpu.memory_space<hbm>>
    tpu.enqueue_indirect_dma source(%dma_start3A_55 : memref<100000x1024xf32, #tpu.memory_space<hbm>>) target(%arg6 : memref<16x1024xf32, #tpu.memory_space<vmem>>) offsets(%dma_start3A_52 : memref<16xi32, #tpu.memory_space<vmem>>) semaphore(%arg10 : memref<!tpu.dma_semaphore, #tpu.memory_space<semaphore_mem>>)
    %add3A_56 = arith.constant 1 : i32
    %add3A_57 = arith.addi %add3A_27, %add3A_56 : i32
    %dma_wait3A_58 = arith.constant 0 : i32
    %dma_wait3A_59 = tpu.memref_slice %arg5[%dma_wait3A_58] : memref<128xi32, #tpu.memory_space<vmem>> -> memref<16xi32, #tpu.memory_space<vmem>>
    %dma_wait3A_60 = arith.constant 0 : i32
    %dma_wait3A_61 = arith.constant 0 : i32
    %dma_wait3A_62 = tpu.memref_slice %arg2[%dma_wait3A_60, %dma_wait3A_61] : memref<100000x1024xf32, #tpu.memory_space<hbm>> -> memref<100000x1024xf32, #tpu.memory_space<hbm>>
    tpu.wait_indirect_dma semaphore(%arg11 : memref<!tpu.dma_semaphore, #tpu.memory_space<semaphore_mem>>) src(%dma_wait3A_62 : memref<100000x1024xf32, #tpu.memory_space<hbm>>) dst(%arg7 : memref<16x1024xf32, #tpu.memory_space<vmem>>)
    %mul3A_63 = arith.constant 16 : i32
    %mul3A_64 = arith.muli %add3A_57, %mul3A_63 : i32
    %add3A_65 = arith.addi %mul3A_2, %mul3A_64 : i32
    %dma_start3A_66 = arith.constant 0 : i32
    %dma_start3A_67 = tpu.memref_slice %arg4[%add3A_65, %dma_start3A_66] : memref<4096x1024xf32, #tpu.memory_space<hbm>> -> memref<16x1024xf32, #tpu.memory_space<hbm>>
    %dma_start3A_68 = arith.constant 0 : i32
    %dma_start3A_69 = tpu.memref_slice %arg4[%add3A_65, %dma_start3A_68] : memref<4096x1024xf32, #tpu.memory_space<hbm>> -> memref<16x1024xf32, #tpu.memory_space<hbm>>
    tpu.enqueue_dma source(%arg7 : memref<16x1024xf32, #tpu.memory_space<vmem>>) target(%dma_start3A_69 : memref<16x1024xf32, #tpu.memory_space<hbm>>) target_semaphore(%arg15 : memref<!tpu.dma_semaphore, #tpu.memory_space<semaphore_mem>>)
    %mul3A_70 = arith.constant 16 : i32
    %mul3A_71 = arith.muli %add3A_57, %mul3A_70 : i32
    %add3A_72 = arith.addi %mul3A_2, %mul3A_71 : i32
    %dma_wait3A_73 = arith.constant 0 : i32
    %dma_wait3A_74 = tpu.memref_slice %arg4[%add3A_72, %dma_wait3A_73] : memref<4096x1024xf32, #tpu.memory_space<hbm>> -> memref<16x1024xf32, #tpu.memory_space<hbm>>
    %dma_wait3A_75 = arith.constant 0 : i32
    %dma_wait3A_76 = tpu.memref_slice %arg4[%add3A_72, %dma_wait3A_75] : memref<4096x1024xf32, #tpu.memory_space<hbm>> -> memref<16x1024xf32, #tpu.memory_space<hbm>>
    tpu.wait_dma2 semaphore(%arg15 : memref<!tpu.dma_semaphore, #tpu.memory_space<semaphore_mem>>) src(%arg7 : memref<16x1024xf32, #tpu.memory_space<vmem>>) dst(%dma_wait3A_76 : memref<16x1024xf32, #tpu.memory_space<hbm>>)
    %add3A_77 = arith.constant 4 : i32
    %add3A_78 = arith.addi %add3A_57, %add3A_77 : i32
    %mul3A_79 = arith.constant 16 : i32
    %mul3A_80 = arith.muli %add3A_78, %mul3A_79 : i32
    %dma_start3A_81 = tpu.memref_slice %arg5[%mul3A_80] : memref<128xi32, #tpu.memory_space<vmem>> -> memref<16xi32, #tpu.memory_space<vmem>>
    %dma_start3A_82 = arith.constant 0 : i32
    %dma_start3A_83 = arith.constant 0 : i32
    %dma_start3A_84 = tpu.memref_slice %arg2[%dma_start3A_82, %dma_start3A_83] : memref<100000x1024xf32, #tpu.memory_space<hbm>> -> memref<100000x1024xf32, #tpu.memory_space<hbm>>
    tpu.enqueue_indirect_dma source(%dma_start3A_84 : memref<100000x1024xf32, #tpu.memory_space<hbm>>) target(%arg7 : memref<16x1024xf32, #tpu.memory_space<vmem>>) offsets(%dma_start3A_81 : memref<16xi32, #tpu.memory_space<vmem>>) semaphore(%arg11 : memref<!tpu.dma_semaphore, #tpu.memory_space<semaphore_mem>>)
    %add3A_85 = arith.constant 2 : i32
    %add3A_86 = arith.addi %add3A_27, %add3A_85 : i32
    %dma_wait3A_87 = arith.constant 0 : i32
    %dma_wait3A_88 = tpu.memref_slice %arg5[%dma_wait3A_87] : memref<128xi32, #tpu.memory_space<vmem>> -> memref<16xi32, #tpu.memory_space<vmem>>
    %dma_wait3A_89 = arith.constant 0 : i32
    %dma_wait3A_90 = arith.constant 0 : i32
    %dma_wait3A_91 = tpu.memref_slice %arg2[%dma_wait3A_89, %dma_wait3A_90] : memref<100000x1024xf32, #tpu.memory_space<hbm>> -> memref<100000x1024xf32, #tpu.memory_space<hbm>>
    tpu.wait_indirect_dma semaphore(%arg12 : memref<!tpu.dma_semaphore, #tpu.memory_space<semaphore_mem>>) src(%dma_wait3A_91 : memref<100000x1024xf32, #tpu.memory_space<hbm>>) dst(%arg8 : memref<16x1024xf32, #tpu.memory_space<vmem>>)
    %mul3A_92 = arith.constant 16 : i32
    %mul3A_93 = arith.muli %add3A_86, %mul3A_92 : i32
    %add3A_94 = arith.addi %mul3A_2, %mul3A_93 : i32
    %dma_start3A_95 = arith.constant 0 : i32
    %dma_start3A_96 = tpu.memref_slice %arg4[%add3A_94, %dma_start3A_95] : memref<4096x1024xf32, #tpu.memory_space<hbm>> -> memref<16x1024xf32, #tpu.memory_space<hbm>>
    %dma_start3A_97 = arith.constant 0 : i32
    %dma_start3A_98 = tpu.memref_slice %arg4[%add3A_94, %dma_start3A_97] : memref<4096x1024xf32, #tpu.memory_space<hbm>> -> memref<16x1024xf32, #tpu.memory_space<hbm>>
    tpu.enqueue_dma source(%arg8 : memref<16x1024xf32, #tpu.memory_space<vmem>>) target(%dma_start3A_98 : memref<16x1024xf32, #tpu.memory_space<hbm>>) target_semaphore(%arg16 : memref<!tpu.dma_semaphore, #tpu.memory_space<semaphore_mem>>)
    %mul3A_99 = arith.constant 16 : i32
    %mul3A_100 = arith.muli %add3A_86, %mul3A_99 : i32
    %add3A_101 = arith.addi %mul3A_2, %mul3A_100 : i32
    %dma_wait3A_102 = arith.constant 0 : i32
    %dma_wait3A_103 = tpu.memref_slice %arg4[%add3A_101, %dma_wait3A_102] : memref<4096x1024xf32, #tpu.memory_space<hbm>> -> memref<16x1024xf32, #tpu.memory_space<hbm>>
    %dma_wait3A_104 = arith.constant 0 : i32
    %dma_wait3A_105 = tpu.memref_slice %arg4[%add3A_101, %dma_wait3A_104] : memref<4096x1024xf32, #tpu.memory_space<hbm>> -> memref<16x1024xf32, #tpu.memory_space<hbm>>
    tpu.wait_dma2 semaphore(%arg16 : memref<!tpu.dma_semaphore, #tpu.memory_space<semaphore_mem>>) src(%arg8 : memref<16x1024xf32, #tpu.memory_space<vmem>>) dst(%dma_wait3A_105 : memref<16x1024xf32, #tpu.memory_space<hbm>>)
    %add3A_106 = arith.constant 4 : i32
    %add3A_107 = arith.addi %add3A_86, %add3A_106 : i32
    %mul3A_108 = arith.constant 16 : i32
    %mul3A_109 = arith.muli %add3A_107, %mul3A_108 : i32
    %dma_start3A_110 = tpu.memref_slice %arg5[%mul3A_109] : memref<128xi32, #tpu.memory_space<vmem>> -> memref<16xi32, #tpu.memory_space<vmem>>
    %dma_start3A_111 = arith.constant 0 : i32
    %dma_start3A_112 = arith.constant 0 : i32
    %dma_start3A_113 = tpu.memref_slice %arg2[%dma_start3A_111, %dma_start3A_112] : memref<100000x1024xf32, #tpu.memory_space<hbm>> -> memref<100000x1024xf32, #tpu.memory_space<hbm>>
    tpu.enqueue_indirect_dma source(%dma_start3A_113 : memref<100000x1024xf32, #tpu.memory_space<hbm>>) target(%arg8 : memref<16x1024xf32, #tpu.memory_space<vmem>>) offsets(%dma_start3A_110 : memref<16xi32, #tpu.memory_space<vmem>>) semaphore(%arg12 : memref<!tpu.dma_semaphore, #tpu.memory_space<semaphore_mem>>)
    %add3A_114 = arith.constant 3 : i32
    %add3A_115 = arith.addi %add3A_27, %add3A_114 : i32
    %dma_wait3A_116 = arith.constant 0 : i32
    %dma_wait3A_117 = tpu.memref_slice %arg5[%dma_wait3A_116] : memref<128xi32, #tpu.memory_space<vmem>> -> memref<16xi32, #tpu.memory_space<vmem>>
    %dma_wait3A_118 = arith.constant 0 : i32
    %dma_wait3A_119 = arith.constant 0 : i32
    %dma_wait3A_120 = tpu.memref_slice %arg2[%dma_wait3A_118, %dma_wait3A_119] : memref<100000x1024xf32, #tpu.memory_space<hbm>> -> memref<100000x1024xf32, #tpu.memory_space<hbm>>
    tpu.wait_indirect_dma semaphore(%arg13 : memref<!tpu.dma_semaphore, #tpu.memory_space<semaphore_mem>>) src(%dma_wait3A_120 : memref<100000x1024xf32, #tpu.memory_space<hbm>>) dst(%arg9 : memref<16x1024xf32, #tpu.memory_space<vmem>>)
    %mul3A_121 = arith.constant 16 : i32
    %mul3A_122 = arith.muli %add3A_115, %mul3A_121 : i32
    %add3A_123 = arith.addi %mul3A_2, %mul3A_122 : i32
    %dma_start3A_124 = arith.constant 0 : i32
    %dma_start3A_125 = tpu.memref_slice %arg4[%add3A_123, %dma_start3A_124] : memref<4096x1024xf32, #tpu.memory_space<hbm>> -> memref<16x1024xf32, #tpu.memory_space<hbm>>
    %dma_start3A_126 = arith.constant 0 : i32
    %dma_start3A_127 = tpu.memref_slice %arg4[%add3A_123, %dma_start3A_126] : memref<4096x1024xf32, #tpu.memory_space<hbm>> -> memref<16x1024xf32, #tpu.memory_space<hbm>>
    tpu.enqueue_dma source(%arg9 : memref<16x1024xf32, #tpu.memory_space<vmem>>) target(%dma_start3A_127 : memref<16x1024xf32, #tpu.memory_space<hbm>>) target_semaphore(%arg17 : memref<!tpu.dma_semaphore, #tpu.memory_space<semaphore_mem>>)
    %mul3A_128 = arith.constant 16 : i32
    %mul3A_129 = arith.muli %add3A_115, %mul3A_128 : i32
    %add3A_130 = arith.addi %mul3A_2, %mul3A_129 : i32
    %dma_wait3A_131 = arith.constant 0 : i32
    %dma_wait3A_132 = tpu.memref_slice %arg4[%add3A_130, %dma_wait3A_131] : memref<4096x1024xf32, #tpu.memory_space<hbm>> -> memref<16x1024xf32, #tpu.memory_space<hbm>>
    %dma_wait3A_133 = arith.constant 0 : i32
    %dma_wait3A_134 = tpu.memref_slice %arg4[%add3A_130, %dma_wait3A_133] : memref<4096x1024xf32, #tpu.memory_space<hbm>> -> memref<16x1024xf32, #tpu.memory_space<hbm>>
    tpu.wait_dma2 semaphore(%arg17 : memref<!tpu.dma_semaphore, #tpu.memory_space<semaphore_mem>>) src(%arg9 : memref<16x1024xf32, #tpu.memory_space<vmem>>) dst(%dma_wait3A_134 : memref<16x1024xf32, #tpu.memory_space<hbm>>)
    %add3A_135 = arith.constant 4 : i32
    %add3A_136 = arith.addi %add3A_115, %add3A_135 : i32
    %mul3A_137 = arith.constant 16 : i32
    %mul3A_138 = arith.muli %add3A_136, %mul3A_137 : i32
    %dma_start3A_139 = tpu.memref_slice %arg5[%mul3A_138] : memref<128xi32, #tpu.memory_space<vmem>> -> memref<16xi32, #tpu.memory_space<vmem>>
    %dma_start3A_140 = arith.constant 0 : i32
    %dma_start3A_141 = arith.constant 0 : i32
    %dma_start3A_142 = tpu.memref_slice %arg2[%dma_start3A_140, %dma_start3A_141] : memref<100000x1024xf32, #tpu.memory_space<hbm>> -> memref<100000x1024xf32, #tpu.memory_space<hbm>>
    tpu.enqueue_indirect_dma source(%dma_start3A_142 : memref<100000x1024xf32, #tpu.memory_space<hbm>>) target(%arg9 : memref<16x1024xf32, #tpu.memory_space<vmem>>) offsets(%dma_start3A_139 : memref<16xi32, #tpu.memory_space<vmem>>) semaphore(%arg13 : memref<!tpu.dma_semaphore, #tpu.memory_space<semaphore_mem>>)
    %scan3A_143 = arith.constant 1 : i32
    %dma_wait3A_144 = arith.constant 0 : i32
    %dma_wait3A_145 = tpu.memref_slice %arg5[%dma_wait3A_144] : memref<128xi32, #tpu.memory_space<vmem>> -> memref<16xi32, #tpu.memory_space<vmem>>
    %dma_wait3A_146 = arith.constant 0 : i32
    %dma_wait3A_147 = arith.constant 0 : i32
    %dma_wait3A_148 = tpu.memref_slice %arg2[%dma_wait3A_146, %dma_wait3A_147] : memref<100000x1024xf32, #tpu.memory_space<hbm>> -> memref<100000x1024xf32, #tpu.memory_space<hbm>>
    tpu.wait_indirect_dma semaphore(%arg10 : memref<!tpu.dma_semaphore, #tpu.memory_space<semaphore_mem>>) src(%dma_wait3A_148 : memref<100000x1024xf32, #tpu.memory_space<hbm>>) dst(%arg6 : memref<16x1024xf32, #tpu.memory_space<vmem>>)
    %add3A_149 = arith.constant 64 : i32
    %add3A_150 = arith.addi %mul3A_2, %add3A_149 : i32
    %dma_start3A_151 = arith.constant 0 : i32
    %dma_start3A_152 = tpu.memref_slice %arg4[%add3A_150, %dma_start3A_151] : memref<4096x1024xf32, #tpu.memory_space<hbm>> -> memref<16x1024xf32, #tpu.memory_space<hbm>>
    %dma_start3A_153 = arith.constant 0 : i32
    %dma_start3A_154 = tpu.memref_slice %arg4[%add3A_150, %dma_start3A_153] : memref<4096x1024xf32, #tpu.memory_space<hbm>> -> memref<16x1024xf32, #tpu.memory_space<hbm>>
    tpu.enqueue_dma source(%arg6 : memref<16x1024xf32, #tpu.memory_space<vmem>>) target(%dma_start3A_154 : memref<16x1024xf32, #tpu.memory_space<hbm>>) target_semaphore(%arg14 : memref<!tpu.dma_semaphore, #tpu.memory_space<semaphore_mem>>)
    %add3A_155 = arith.constant 64 : i32
    %add3A_156 = arith.addi %mul3A_2, %add3A_155 : i32
    %dma_wait3A_157 = arith.constant 0 : i32
    %dma_wait3A_158 = tpu.memref_slice %arg4[%add3A_156, %dma_wait3A_157] : memref<4096x1024xf32, #tpu.memory_space<hbm>> -> memref<16x1024xf32, #tpu.memory_space<hbm>>
    %dma_wait3A_159 = arith.constant 0 : i32
    %dma_wait3A_160 = tpu.memref_slice %arg4[%add3A_156, %dma_wait3A_159] : memref<4096x1024xf32, #tpu.memory_space<hbm>> -> memref<16x1024xf32, #tpu.memory_space<hbm>>
    tpu.wait_dma2 semaphore(%arg14 : memref<!tpu.dma_semaphore, #tpu.memory_space<semaphore_mem>>) src(%arg6 : memref<16x1024xf32, #tpu.memory_space<vmem>>) dst(%dma_wait3A_160 : memref<16x1024xf32, #tpu.memory_space<hbm>>)
    %dma_wait3A_161 = arith.constant 0 : i32
    %dma_wait3A_162 = tpu.memref_slice %arg5[%dma_wait3A_161] : memref<128xi32, #tpu.memory_space<vmem>> -> memref<16xi32, #tpu.memory_space<vmem>>
    %dma_wait3A_163 = arith.constant 0 : i32
    %dma_wait3A_164 = arith.constant 0 : i32
    %dma_wait3A_165 = tpu.memref_slice %arg2[%dma_wait3A_163, %dma_wait3A_164] : memref<100000x1024xf32, #tpu.memory_space<hbm>> -> memref<100000x1024xf32, #tpu.memory_space<hbm>>
    tpu.wait_indirect_dma semaphore(%arg11 : memref<!tpu.dma_semaphore, #tpu.memory_space<semaphore_mem>>) src(%dma_wait3A_165 : memref<100000x1024xf32, #tpu.memory_space<hbm>>) dst(%arg7 : memref<16x1024xf32, #tpu.memory_space<vmem>>)
    %add3A_166 = arith.constant 80 : i32
    %add3A_167 = arith.addi %mul3A_2, %add3A_166 : i32
    %dma_start3A_168 = arith.constant 0 : i32
    %dma_start3A_169 = tpu.memref_slice %arg4[%add3A_167, %dma_start3A_168] : memref<4096x1024xf32, #tpu.memory_space<hbm>> -> memref<16x1024xf32, #tpu.memory_space<hbm>>
    %dma_start3A_170 = arith.constant 0 : i32
    %dma_start3A_171 = tpu.memref_slice %arg4[%add3A_167, %dma_start3A_170] : memref<4096x1024xf32, #tpu.memory_space<hbm>> -> memref<16x1024xf32, #tpu.memory_space<hbm>>
    tpu.enqueue_dma source(%arg7 : memref<16x1024xf32, #tpu.memory_space<vmem>>) target(%dma_start3A_171 : memref<16x1024xf32, #tpu.memory_space<hbm>>) target_semaphore(%arg15 : memref<!tpu.dma_semaphore, #tpu.memory_space<semaphore_mem>>)
    %add3A_172 = arith.constant 80 : i32
    %add3A_173 = arith.addi %mul3A_2, %add3A_172 : i32
    %dma_wait3A_174 = arith.constant 0 : i32
    %dma_wait3A_175 = tpu.memref_slice %arg4[%add3A_173, %dma_wait3A_174] : memref<4096x1024xf32, #tpu.memory_space<hbm>> -> memref<16x1024xf32, #tpu.memory_space<hbm>>
    %dma_wait3A_176 = arith.constant 0 : i32
    %dma_wait3A_177 = tpu.memref_slice %arg4[%add3A_173, %dma_wait3A_176] : memref<4096x1024xf32, #tpu.memory_space<hbm>> -> memref<16x1024xf32, #tpu.memory_space<hbm>>
    tpu.wait_dma2 semaphore(%arg15 : memref<!tpu.dma_semaphore, #tpu.memory_space<semaphore_mem>>) src(%arg7 : memref<16x1024xf32, #tpu.memory_space<vmem>>) dst(%dma_wait3A_177 : memref<16x1024xf32, #tpu.memory_space<hbm>>)
    %dma_wait3A_178 = arith.constant 0 : i32
    %dma_wait3A_179 = tpu.memref_slice %arg5[%dma_wait3A_178] : memref<128xi32, #tpu.memory_space<vmem>> -> memref<16xi32, #tpu.memory_space<vmem>>
    %dma_wait3A_180 = arith.constant 0 : i32
    %dma_wait3A_181 = arith.constant 0 : i32
    %dma_wait3A_182 = tpu.memref_slice %arg2[%dma_wait3A_180, %dma_wait3A_181] : memref<100000x1024xf32, #tpu.memory_space<hbm>> -> memref<100000x1024xf32, #tpu.memory_space<hbm>>
    tpu.wait_indirect_dma semaphore(%arg12 : memref<!tpu.dma_semaphore, #tpu.memory_space<semaphore_mem>>) src(%dma_wait3A_182 : memref<100000x1024xf32, #tpu.memory_space<hbm>>) dst(%arg8 : memref<16x1024xf32, #tpu.memory_space<vmem>>)
    %add3A_183 = arith.constant 96 : i32
    %add3A_184 = arith.addi %mul3A_2, %add3A_183 : i32
    %dma_start3A_185 = arith.constant 0 : i32
    %dma_start3A_186 = tpu.memref_slice %arg4[%add3A_184, %dma_start3A_185] : memref<4096x1024xf32, #tpu.memory_space<hbm>> -> memref<16x1024xf32, #tpu.memory_space<hbm>>
    %dma_start3A_187 = arith.constant 0 : i32
    %dma_start3A_188 = tpu.memref_slice %arg4[%add3A_184, %dma_start3A_187] : memref<4096x1024xf32, #tpu.memory_space<hbm>> -> memref<16x1024xf32, #tpu.memory_space<hbm>>
    tpu.enqueue_dma source(%arg8 : memref<16x1024xf32, #tpu.memory_space<vmem>>) target(%dma_start3A_188 : memref<16x1024xf32, #tpu.memory_space<hbm>>) target_semaphore(%arg16 : memref<!tpu.dma_semaphore, #tpu.memory_space<semaphore_mem>>)
    %add3A_189 = arith.constant 96 : i32
    %add3A_190 = arith.addi %mul3A_2, %add3A_189 : i32
    %dma_wait3A_191 = arith.constant 0 : i32
    %dma_wait3A_192 = tpu.memref_slice %arg4[%add3A_190, %dma_wait3A_191] : memref<4096x1024xf32, #tpu.memory_space<hbm>> -> memref<16x1024xf32, #tpu.memory_space<hbm>>
    %dma_wait3A_193 = arith.constant 0 : i32
    %dma_wait3A_194 = tpu.memref_slice %arg4[%add3A_190, %dma_wait3A_193] : memref<4096x1024xf32, #tpu.memory_space<hbm>> -> memref<16x1024xf32, #tpu.memory_space<hbm>>
    tpu.wait_dma2 semaphore(%arg16 : memref<!tpu.dma_semaphore, #tpu.memory_space<semaphore_mem>>) src(%arg8 : memref<16x1024xf32, #tpu.memory_space<vmem>>) dst(%dma_wait3A_194 : memref<16x1024xf32, #tpu.memory_space<hbm>>)
    %dma_wait3A_195 = arith.constant 0 : i32
    %dma_wait3A_196 = tpu.memref_slice %arg5[%dma_wait3A_195] : memref<128xi32, #tpu.memory_space<vmem>> -> memref<16xi32, #tpu.memory_space<vmem>>
    %dma_wait3A_197 = arith.constant 0 : i32
    %dma_wait3A_198 = arith.constant 0 : i32
    %dma_wait3A_199 = tpu.memref_slice %arg2[%dma_wait3A_197, %dma_wait3A_198] : memref<100000x1024xf32, #tpu.memory_space<hbm>> -> memref<100000x1024xf32, #tpu.memory_space<hbm>>
    tpu.wait_indirect_dma semaphore(%arg13 : memref<!tpu.dma_semaphore, #tpu.memory_space<semaphore_mem>>) src(%dma_wait3A_199 : memref<100000x1024xf32, #tpu.memory_space<hbm>>) dst(%arg9 : memref<16x1024xf32, #tpu.memory_space<vmem>>)
    %add3A_200 = arith.constant 112 : i32
    %add3A_201 = arith.addi %mul3A_2, %add3A_200 : i32
    %dma_start3A_202 = arith.constant 0 : i32
    %dma_start3A_203 = tpu.memref_slice %arg4[%add3A_201, %dma_start3A_202] : memref<4096x1024xf32, #tpu.memory_space<hbm>> -> memref<16x1024xf32, #tpu.memory_space<hbm>>
    %dma_start3A_204 = arith.constant 0 : i32
    %dma_start3A_205 = tpu.memref_slice %arg4[%add3A_201, %dma_start3A_204] : memref<4096x1024xf32, #tpu.memory_space<hbm>> -> memref<16x1024xf32, #tpu.memory_space<hbm>>
    tpu.enqueue_dma source(%arg9 : memref<16x1024xf32, #tpu.memory_space<vmem>>) target(%dma_start3A_205 : memref<16x1024xf32, #tpu.memory_space<hbm>>) target_semaphore(%arg17 : memref<!tpu.dma_semaphore, #tpu.memory_space<semaphore_mem>>)
    %add3A_206 = arith.constant 112 : i32
    %add3A_207 = arith.addi %mul3A_2, %add3A_206 : i32
    %dma_wait3A_208 = arith.constant 0 : i32
    %dma_wait3A_209 = tpu.memref_slice %arg4[%add3A_207, %dma_wait3A_208] : memref<4096x1024xf32, #tpu.memory_space<hbm>> -> memref<16x1024xf32, #tpu.memory_space<hbm>>
    %dma_wait3A_210 = arith.constant 0 : i32
    %dma_wait3A_211 = tpu.memref_slice %arg4[%add3A_207, %dma_wait3A_210] : memref<4096x1024xf32, #tpu.memory_space<hbm>> -> memref<16x1024xf32, #tpu.memory_space<hbm>>
    tpu.wait_dma2 semaphore(%arg17 : memref<!tpu.dma_semaphore, #tpu.memory_space<semaphore_mem>>) src(%arg9 : memref<16x1024xf32, #tpu.memory_space<vmem>>) dst(%dma_wait3A_211 : memref<16x1024xf32, #tpu.memory_space<hbm>>)
    return
  }
}

#map = affine_map<(d0, d1) -> (0, 0)>
#map1 = affine_map<(d0, d1) -> (0)>
module attributes {stable_mosaic.version = 14 : i64} {
  func.func @_gather_feat0_emb(%arg0: i32, %arg1: i32, %arg2: memref<100000x1024xf32, #tpu.memory_space<hbm>>, %arg3: memref<100000x128xf32, #tpu.memory_space<hbm>>, %arg4: memref<16384xi32, #tpu.memory_space<hbm>>, %arg5: memref<16384xi32, #tpu.memory_space<hbm>>, %arg6: memref<12288x1024xf32, #tpu.memory_space<hbm>>, %arg7: memref<32768x128xf32, #tpu.memory_space<hbm>>, %arg8: memref<384xi32, #tpu.memory_space<vmem>>, %arg9: memref<16x1024xf32, #tpu.memory_space<vmem>>, %arg10: memref<16x1024xf32, #tpu.memory_space<vmem>>, %arg11: memref<16x1024xf32, #tpu.memory_space<vmem>>, %arg12: memref<16x1024xf32, #tpu.memory_space<vmem>>, %arg13: memref<!tpu.dma_semaphore, #tpu.memory_space<semaphore_mem>>, %arg14: memref<!tpu.dma_semaphore, #tpu.memory_space<semaphore_mem>>, %arg15: memref<!tpu.dma_semaphore, #tpu.memory_space<semaphore_mem>>, %arg16: memref<!tpu.dma_semaphore, #tpu.memory_space<semaphore_mem>>, %arg17: memref<!tpu.dma_semaphore, #tpu.memory_space<semaphore_mem>>, %arg18: memref<!tpu.dma_semaphore, #tpu.memory_space<semaphore_mem>>, %arg19: memref<!tpu.dma_semaphore, #tpu.memory_space<semaphore_mem>>, %arg20: memref<!tpu.dma_semaphore, #tpu.memory_space<semaphore_mem>>, %arg21: memref<512xi32, #tpu.memory_space<vmem>>, %arg22: memref<64x128xf32, #tpu.memory_space<vmem>>, %arg23: memref<64x128xf32, #tpu.memory_space<vmem>>, %arg24: memref<64x128xf32, #tpu.memory_space<vmem>>, %arg25: memref<64x128xf32, #tpu.memory_space<vmem>>) attributes {dimension_semantics = [#tpu.dimension_semantics<core_parallel>, #tpu.dimension_semantics<subcore_parallel>], iteration_bounds = array<i64: 2, 16>, scalar_prefetch = 0 : i64, scratch_operands = 18 : i64, tpu.core_type = #tpu.core_type<sc_vector_subcore>, window_params = [{transform_indices = #map}, {transform_indices = #map}, {transform_indices = #map1}, {transform_indices = #map1}, {transform_indices = #map}, {transform_indices = #map}]} {
    %mul3A = arith.constant 2 : i32
    %mul3A_0 = arith.muli %arg1, %mul3A : i32
    %add3A = arith.addi %mul3A_0, %arg0 : i32
    %mul3A_1 = arith.constant 384 : i32
    %mul3A_2 = arith.muli %add3A, %mul3A_1 : i32
    %mul3A_3 = arith.constant 512 : i32
    %mul3A_4 = arith.muli %add3A, %mul3A_3 : i32
    "tpu.region"() ({
      %run_scoped3A = tpu.sem_alloc : memref<!tpu.dma_semaphore, #tpu.memory_space<semaphore_mem>>
      %dma_start3A_307 = tpu.memref_slice %arg4[%mul3A_2] : memref<16384xi32, #tpu.memory_space<hbm>> -> memref<384xi32, #tpu.memory_space<hbm>>
      %dma_start3A_308 = tpu.memref_slice %arg4[%mul3A_2] : memref<16384xi32, #tpu.memory_space<hbm>> -> memref<384xi32, #tpu.memory_space<hbm>>
      tpu.enqueue_dma source(%dma_start3A_308 : memref<384xi32, #tpu.memory_space<hbm>>) target(%arg8 : memref<384xi32, #tpu.memory_space<vmem>>) target_semaphore(%run_scoped3A : memref<!tpu.dma_semaphore, #tpu.memory_space<semaphore_mem>>)
      %dma_wait3A_309 = tpu.memref_slice %arg4[%mul3A_2] : memref<16384xi32, #tpu.memory_space<hbm>> -> memref<384xi32, #tpu.memory_space<hbm>>
      %dma_wait3A_310 = tpu.memref_slice %arg4[%mul3A_2] : memref<16384xi32, #tpu.memory_space<hbm>> -> memref<384xi32, #tpu.memory_space<hbm>>
      tpu.wait_dma2 semaphore(%run_scoped3A : memref<!tpu.dma_semaphore, #tpu.memory_space<semaphore_mem>>) src(%dma_wait3A_310 : memref<384xi32, #tpu.memory_space<hbm>>) dst(%arg8 : memref<384xi32, #tpu.memory_space<vmem>>)
      tpu.yield
    }) : () -> ()
    "tpu.region"() ({
      %run_scoped3A = tpu.sem_alloc : memref<!tpu.dma_semaphore, #tpu.memory_space<semaphore_mem>>
      %dma_start3A_307 = tpu.memref_slice %arg5[%mul3A_4] : memref<16384xi32, #tpu.memory_space<hbm>> -> memref<512xi32, #tpu.memory_space<hbm>>
      %dma_start3A_308 = tpu.memref_slice %arg5[%mul3A_4] : memref<16384xi32, #tpu.memory_space<hbm>> -> memref<512xi32, #tpu.memory_space<hbm>>
      tpu.enqueue_dma source(%dma_start3A_308 : memref<512xi32, #tpu.memory_space<hbm>>) target(%arg21 : memref<512xi32, #tpu.memory_space<vmem>>) target_semaphore(%run_scoped3A : memref<!tpu.dma_semaphore, #tpu.memory_space<semaphore_mem>>)
      %dma_wait3A_309 = tpu.memref_slice %arg5[%mul3A_4] : memref<16384xi32, #tpu.memory_space<hbm>> -> memref<512xi32, #tpu.memory_space<hbm>>
      %dma_wait3A_310 = tpu.memref_slice %arg5[%mul3A_4] : memref<16384xi32, #tpu.memory_space<hbm>> -> memref<512xi32, #tpu.memory_space<hbm>>
      tpu.wait_dma2 semaphore(%run_scoped3A : memref<!tpu.dma_semaphore, #tpu.memory_space<semaphore_mem>>) src(%dma_wait3A_310 : memref<512xi32, #tpu.memory_space<hbm>>) dst(%arg21 : memref<512xi32, #tpu.memory_space<vmem>>)
      tpu.yield
    }) : () -> ()
    %dma_start3A = arith.constant 0 : i32
    %dma_start3A_5 = tpu.memref_slice %arg8[%dma_start3A] : memref<384xi32, #tpu.memory_space<vmem>> -> memref<16xi32, #tpu.memory_space<vmem>>
    %dma_start3A_6 = arith.constant 0 : i32
    %dma_start3A_7 = arith.constant 0 : i32
    %dma_start3A_8 = tpu.memref_slice %arg2[%dma_start3A_6, %dma_start3A_7] : memref<100000x1024xf32, #tpu.memory_space<hbm>> -> memref<100000x1024xf32, #tpu.memory_space<hbm>>
    tpu.enqueue_indirect_dma source(%dma_start3A_8 : memref<100000x1024xf32, #tpu.memory_space<hbm>>) target(%arg9 : memref<16x1024xf32, #tpu.memory_space<vmem>>) offsets(%dma_start3A_5 : memref<16xi32, #tpu.memory_space<vmem>>) semaphore(%arg13 : memref<!tpu.dma_semaphore, #tpu.memory_space<semaphore_mem>>)
    %dma_start3A_9 = arith.constant 16 : i32
    %dma_start3A_10 = tpu.memref_slice %arg8[%dma_start3A_9] : memref<384xi32, #tpu.memory_space<vmem>> -> memref<16xi32, #tpu.memory_space<vmem>>
    %dma_start3A_11 = arith.constant 0 : i32
    %dma_start3A_12 = arith.constant 0 : i32
    %dma_start3A_13 = tpu.memref_slice %arg2[%dma_start3A_11, %dma_start3A_12] : memref<100000x1024xf32, #tpu.memory_space<hbm>> -> memref<100000x1024xf32, #tpu.memory_space<hbm>>
    tpu.enqueue_indirect_dma source(%dma_start3A_13 : memref<100000x1024xf32, #tpu.memory_space<hbm>>) target(%arg10 : memref<16x1024xf32, #tpu.memory_space<vmem>>) offsets(%dma_start3A_10 : memref<16xi32, #tpu.memory_space<vmem>>) semaphore(%arg14 : memref<!tpu.dma_semaphore, #tpu.memory_space<semaphore_mem>>)
    %dma_start3A_14 = arith.constant 32 : i32
    %dma_start3A_15 = tpu.memref_slice %arg8[%dma_start3A_14] : memref<384xi32, #tpu.memory_space<vmem>> -> memref<16xi32, #tpu.memory_space<vmem>>
    %dma_start3A_16 = arith.constant 0 : i32
    %dma_start3A_17 = arith.constant 0 : i32
    %dma_start3A_18 = tpu.memref_slice %arg2[%dma_start3A_16, %dma_start3A_17] : memref<100000x1024xf32, #tpu.memory_space<hbm>> -> memref<100000x1024xf32, #tpu.memory_space<hbm>>
    tpu.enqueue_indirect_dma source(%dma_start3A_18 : memref<100000x1024xf32, #tpu.memory_space<hbm>>) target(%arg11 : memref<16x1024xf32, #tpu.memory_space<vmem>>) offsets(%dma_start3A_15 : memref<16xi32, #tpu.memory_space<vmem>>) semaphore(%arg15 : memref<!tpu.dma_semaphore, #tpu.memory_space<semaphore_mem>>)
    %dma_start3A_19 = arith.constant 48 : i32
    %dma_start3A_20 = tpu.memref_slice %arg8[%dma_start3A_19] : memref<384xi32, #tpu.memory_space<vmem>> -> memref<16xi32, #tpu.memory_space<vmem>>
    %dma_start3A_21 = arith.constant 0 : i32
    %dma_start3A_22 = arith.constant 0 : i32
    %dma_start3A_23 = tpu.memref_slice %arg2[%dma_start3A_21, %dma_start3A_22] : memref<100000x1024xf32, #tpu.memory_space<hbm>> -> memref<100000x1024xf32, #tpu.memory_space<hbm>>
    tpu.enqueue_indirect_dma source(%dma_start3A_23 : memref<100000x1024xf32, #tpu.memory_space<hbm>>) target(%arg12 : memref<16x1024xf32, #tpu.memory_space<vmem>>) offsets(%dma_start3A_20 : memref<16xi32, #tpu.memory_space<vmem>>) semaphore(%arg16 : memref<!tpu.dma_semaphore, #tpu.memory_space<semaphore_mem>>)
    %scan3A = arith.constant 0 : i32
    %scan3A_24 = arith.constant 5 : i32
    %scan3A_25 = arith.addi %scan3A, %scan3A_24 : i32
    %scan3A_26 = arith.constant 1 : i32
    scf.for %scan3A_307 = %scan3A to %scan3A_25 step %scan3A_26  : i32 {
      %mul3A_308 = arith.constant 4 : i32
      %mul3A_309 = arith.muli %scan3A_307, %mul3A_308 : i32
      %add3A_310 = arith.constant 0 : i32
      %add3A_311 = arith.addi %add3A_310, %mul3A_309 : i32
      %add3A_312 = arith.constant 0 : i32
      %add3A_313 = arith.addi %add3A_311, %add3A_312 : i32
      %dma_wait3A_314 = arith.constant 0 : i32
      %dma_wait3A_315 = tpu.memref_slice %arg8[%dma_wait3A_314] : memref<384xi32, #tpu.memory_space<vmem>> -> memref<16xi32, #tpu.memory_space<vmem>>
      %dma_wait3A_316 = arith.constant 0 : i32
      %dma_wait3A_317 = arith.constant 0 : i32
      %dma_wait3A_318 = tpu.memref_slice %arg2[%dma_wait3A_316, %dma_wait3A_317] : memref<100000x1024xf32, #tpu.memory_space<hbm>> -> memref<100000x1024xf32, #tpu.memory_space<hbm>>
      tpu.wait_indirect_dma semaphore(%arg13 : memref<!tpu.dma_semaphore, #tpu.memory_space<semaphore_mem>>) src(%dma_wait3A_318 : memref<100000x1024xf32, #tpu.memory_space<hbm>>) dst(%arg9 : memref<16x1024xf32, #tpu.memory_space<vmem>>)
      %mul3A_319 = arith.constant 16 : i32
      %mul3A_320 = arith.muli %add3A_313, %mul3A_319 : i32
      %add3A_321 = arith.addi %mul3A_2, %mul3A_320 : i32
      %dma_start3A_322 = arith.constant 0 : i32
      %dma_start3A_323 = tpu.memref_slice %arg6[%add3A_321, %dma_start3A_322] : memref<12288x1024xf32, #tpu.memory_space<hbm>> -> memref<16x1024xf32, #tpu.memory_space<hbm>>
      %dma_start3A_324 = arith.constant 0 : i32
      %dma_start3A_325 = tpu.memref_slice %arg6[%add3A_321, %dma_start3A_324] : memref<12288x1024xf32, #tpu.memory_space<hbm>> -> memref<16x1024xf32, #tpu.memory_space<hbm>>
      tpu.enqueue_dma source(%arg9 : memref<16x1024xf32, #tpu.memory_space<vmem>>) target(%dma_start3A_325 : memref<16x1024xf32, #tpu.memory_space<hbm>>) target_semaphore(%arg17 : memref<!tpu.dma_semaphore, #tpu.memory_space<semaphore_mem>>)
      %mul3A_326 = arith.constant 16 : i32
      %mul3A_327 = arith.muli %add3A_313, %mul3A_326 : i32
      %add3A_328 = arith.addi %mul3A_2, %mul3A_327 : i32
      %dma_wait3A_329 = arith.constant 0 : i32
      %dma_wait3A_330 = tpu.memref_slice %arg6[%add3A_328, %dma_wait3A_329] : memref<12288x1024xf32, #tpu.memory_space<hbm>> -> memref<16x1024xf32, #tpu.memory_space<hbm>>
      %dma_wait3A_331 = arith.constant 0 : i32
      %dma_wait3A_332 = tpu.memref_slice %arg6[%add3A_328, %dma_wait3A_331] : memref<12288x1024xf32, #tpu.memory_space<hbm>> -> memref<16x1024xf32, #tpu.memory_space<hbm>>
      tpu.wait_dma2 semaphore(%arg17 : memref<!tpu.dma_semaphore, #tpu.memory_space<semaphore_mem>>) src(%arg9 : memref<16x1024xf32, #tpu.memory_space<vmem>>) dst(%dma_wait3A_332 : memref<16x1024xf32, #tpu.memory_space<hbm>>)
      %add3A_333 = arith.constant 4 : i32
      %add3A_334 = arith.addi %add3A_313, %add3A_333 : i32
      %mul3A_335 = arith.constant 16 : i32
      %mul3A_336 = arith.muli %add3A_334, %mul3A_335 : i32
      %dma_start3A_337 = tpu.memref_slice %arg8[%mul3A_336] : memref<384xi32, #tpu.memory_space<vmem>> -> memref<16xi32, #tpu.memory_space<vmem>>
      %dma_start3A_338 = arith.constant 0 : i32
      %dma_start3A_339 = arith.constant 0 : i32
      %dma_start3A_340 = tpu.memref_slice %arg2[%dma_start3A_338, %dma_start3A_339] : memref<100000x1024xf32, #tpu.memory_space<hbm>> -> memref<100000x1024xf32, #tpu.memory_space<hbm>>
      tpu.enqueue_indirect_dma source(%dma_start3A_340 : memref<100000x1024xf32, #tpu.memory_space<hbm>>) target(%arg9 : memref<16x1024xf32, #tpu.memory_space<vmem>>) offsets(%dma_start3A_337 : memref<16xi32, #tpu.memory_space<vmem>>) semaphore(%arg13 : memref<!tpu.dma_semaphore, #tpu.memory_space<semaphore_mem>>)
      %add3A_341 = arith.constant 1 : i32
      %add3A_342 = arith.addi %add3A_311, %add3A_341 : i32
      %dma_wait3A_343 = arith.constant 0 : i32
      %dma_wait3A_344 = tpu.memref_slice %arg8[%dma_wait3A_343] : memref<384xi32, #tpu.memory_space<vmem>> -> memref<16xi32, #tpu.memory_space<vmem>>
      %dma_wait3A_345 = arith.constant 0 : i32
      %dma_wait3A_346 = arith.constant 0 : i32
      %dma_wait3A_347 = tpu.memref_slice %arg2[%dma_wait3A_345, %dma_wait3A_346] : memref<100000x1024xf32, #tpu.memory_space<hbm>> -> memref<100000x1024xf32, #tpu.memory_space<hbm>>
      tpu.wait_indirect_dma semaphore(%arg14 : memref<!tpu.dma_semaphore, #tpu.memory_space<semaphore_mem>>) src(%dma_wait3A_347 : memref<100000x1024xf32, #tpu.memory_space<hbm>>) dst(%arg10 : memref<16x1024xf32, #tpu.memory_space<vmem>>)
      %mul3A_348 = arith.constant 16 : i32
      %mul3A_349 = arith.muli %add3A_342, %mul3A_348 : i32
      %add3A_350 = arith.addi %mul3A_2, %mul3A_349 : i32
      %dma_start3A_351 = arith.constant 0 : i32
      %dma_start3A_352 = tpu.memref_slice %arg6[%add3A_350, %dma_start3A_351] : memref<12288x1024xf32, #tpu.memory_space<hbm>> -> memref<16x1024xf32, #tpu.memory_space<hbm>>
      %dma_start3A_353 = arith.constant 0 : i32
      %dma_start3A_354 = tpu.memref_slice %arg6[%add3A_350, %dma_start3A_353] : memref<12288x1024xf32, #tpu.memory_space<hbm>> -> memref<16x1024xf32, #tpu.memory_space<hbm>>
      tpu.enqueue_dma source(%arg10 : memref<16x1024xf32, #tpu.memory_space<vmem>>) target(%dma_start3A_354 : memref<16x1024xf32, #tpu.memory_space<hbm>>) target_semaphore(%arg18 : memref<!tpu.dma_semaphore, #tpu.memory_space<semaphore_mem>>)
      %mul3A_355 = arith.constant 16 : i32
      %mul3A_356 = arith.muli %add3A_342, %mul3A_355 : i32
      %add3A_357 = arith.addi %mul3A_2, %mul3A_356 : i32
      %dma_wait3A_358 = arith.constant 0 : i32
      %dma_wait3A_359 = tpu.memref_slice %arg6[%add3A_357, %dma_wait3A_358] : memref<12288x1024xf32, #tpu.memory_space<hbm>> -> memref<16x1024xf32, #tpu.memory_space<hbm>>
      %dma_wait3A_360 = arith.constant 0 : i32
      %dma_wait3A_361 = tpu.memref_slice %arg6[%add3A_357, %dma_wait3A_360] : memref<12288x1024xf32, #tpu.memory_space<hbm>> -> memref<16x1024xf32, #tpu.memory_space<hbm>>
      tpu.wait_dma2 semaphore(%arg18 : memref<!tpu.dma_semaphore, #tpu.memory_space<semaphore_mem>>) src(%arg10 : memref<16x1024xf32, #tpu.memory_space<vmem>>) dst(%dma_wait3A_361 : memref<16x1024xf32, #tpu.memory_space<hbm>>)
      %add3A_362 = arith.constant 4 : i32
      %add3A_363 = arith.addi %add3A_342, %add3A_362 : i32
      %mul3A_364 = arith.constant 16 : i32
      %mul3A_365 = arith.muli %add3A_363, %mul3A_364 : i32
      %dma_start3A_366 = tpu.memref_slice %arg8[%mul3A_365] : memref<384xi32, #tpu.memory_space<vmem>> -> memref<16xi32, #tpu.memory_space<vmem>>
      %dma_start3A_367 = arith.constant 0 : i32
      %dma_start3A_368 = arith.constant 0 : i32
      %dma_start3A_369 = tpu.memref_slice %arg2[%dma_start3A_367, %dma_start3A_368] : memref<100000x1024xf32, #tpu.memory_space<hbm>> -> memref<100000x1024xf32, #tpu.memory_space<hbm>>
      tpu.enqueue_indirect_dma source(%dma_start3A_369 : memref<100000x1024xf32, #tpu.memory_space<hbm>>) target(%arg10 : memref<16x1024xf32, #tpu.memory_space<vmem>>) offsets(%dma_start3A_366 : memref<16xi32, #tpu.memory_space<vmem>>) semaphore(%arg14 : memref<!tpu.dma_semaphore, #tpu.memory_space<semaphore_mem>>)
      %add3A_370 = arith.constant 2 : i32
      %add3A_371 = arith.addi %add3A_311, %add3A_370 : i32
      %dma_wait3A_372 = arith.constant 0 : i32
      %dma_wait3A_373 = tpu.memref_slice %arg8[%dma_wait3A_372] : memref<384xi32, #tpu.memory_space<vmem>> -> memref<16xi32, #tpu.memory_space<vmem>>
      %dma_wait3A_374 = arith.constant 0 : i32
      %dma_wait3A_375 = arith.constant 0 : i32
      %dma_wait3A_376 = tpu.memref_slice %arg2[%dma_wait3A_374, %dma_wait3A_375] : memref<100000x1024xf32, #tpu.memory_space<hbm>> -> memref<100000x1024xf32, #tpu.memory_space<hbm>>
      tpu.wait_indirect_dma semaphore(%arg15 : memref<!tpu.dma_semaphore, #tpu.memory_space<semaphore_mem>>) src(%dma_wait3A_376 : memref<100000x1024xf32, #tpu.memory_space<hbm>>) dst(%arg11 : memref<16x1024xf32, #tpu.memory_space<vmem>>)
      %mul3A_377 = arith.constant 16 : i32
      %mul3A_378 = arith.muli %add3A_371, %mul3A_377 : i32
      %add3A_379 = arith.addi %mul3A_2, %mul3A_378 : i32
      %dma_start3A_380 = arith.constant 0 : i32
      %dma_start3A_381 = tpu.memref_slice %arg6[%add3A_379, %dma_start3A_380] : memref<12288x1024xf32, #tpu.memory_space<hbm>> -> memref<16x1024xf32, #tpu.memory_space<hbm>>
      %dma_start3A_382 = arith.constant 0 : i32
      %dma_start3A_383 = tpu.memref_slice %arg6[%add3A_379, %dma_start3A_382] : memref<12288x1024xf32, #tpu.memory_space<hbm>> -> memref<16x1024xf32, #tpu.memory_space<hbm>>
      tpu.enqueue_dma source(%arg11 : memref<16x1024xf32, #tpu.memory_space<vmem>>) target(%dma_start3A_383 : memref<16x1024xf32, #tpu.memory_space<hbm>>) target_semaphore(%arg19 : memref<!tpu.dma_semaphore, #tpu.memory_space<semaphore_mem>>)
      %mul3A_384 = arith.constant 16 : i32
      %mul3A_385 = arith.muli %add3A_371, %mul3A_384 : i32
      %add3A_386 = arith.addi %mul3A_2, %mul3A_385 : i32
      %dma_wait3A_387 = arith.constant 0 : i32
      %dma_wait3A_388 = tpu.memref_slice %arg6[%add3A_386, %dma_wait3A_387] : memref<12288x1024xf32, #tpu.memory_space<hbm>> -> memref<16x1024xf32, #tpu.memory_space<hbm>>
      %dma_wait3A_389 = arith.constant 0 : i32
      %dma_wait3A_390 = tpu.memref_slice %arg6[%add3A_386, %dma_wait3A_389] : memref<12288x1024xf32, #tpu.memory_space<hbm>> -> memref<16x1024xf32, #tpu.memory_space<hbm>>
      tpu.wait_dma2 semaphore(%arg19 : memref<!tpu.dma_semaphore, #tpu.memory_space<semaphore_mem>>) src(%arg11 : memref<16x1024xf32, #tpu.memory_space<vmem>>) dst(%dma_wait3A_390 : memref<16x1024xf32, #tpu.memory_space<hbm>>)
      %add3A_391 = arith.constant 4 : i32
      %add3A_392 = arith.addi %add3A_371, %add3A_391 : i32
      %mul3A_393 = arith.constant 16 : i32
      %mul3A_394 = arith.muli %add3A_392, %mul3A_393 : i32
      %dma_start3A_395 = tpu.memref_slice %arg8[%mul3A_394] : memref<384xi32, #tpu.memory_space<vmem>> -> memref<16xi32, #tpu.memory_space<vmem>>
      %dma_start3A_396 = arith.constant 0 : i32
      %dma_start3A_397 = arith.constant 0 : i32
      %dma_start3A_398 = tpu.memref_slice %arg2[%dma_start3A_396, %dma_start3A_397] : memref<100000x1024xf32, #tpu.memory_space<hbm>> -> memref<100000x1024xf32, #tpu.memory_space<hbm>>
      tpu.enqueue_indirect_dma source(%dma_start3A_398 : memref<100000x1024xf32, #tpu.memory_space<hbm>>) target(%arg11 : memref<16x1024xf32, #tpu.memory_space<vmem>>) offsets(%dma_start3A_395 : memref<16xi32, #tpu.memory_space<vmem>>) semaphore(%arg15 : memref<!tpu.dma_semaphore, #tpu.memory_space<semaphore_mem>>)
      %add3A_399 = arith.constant 3 : i32
      %add3A_400 = arith.addi %add3A_311, %add3A_399 : i32
      %dma_wait3A_401 = arith.constant 0 : i32
      %dma_wait3A_402 = tpu.memref_slice %arg8[%dma_wait3A_401] : memref<384xi32, #tpu.memory_space<vmem>> -> memref<16xi32, #tpu.memory_space<vmem>>
      %dma_wait3A_403 = arith.constant 0 : i32
      %dma_wait3A_404 = arith.constant 0 : i32
      %dma_wait3A_405 = tpu.memref_slice %arg2[%dma_wait3A_403, %dma_wait3A_404] : memref<100000x1024xf32, #tpu.memory_space<hbm>> -> memref<100000x1024xf32, #tpu.memory_space<hbm>>
      tpu.wait_indirect_dma semaphore(%arg16 : memref<!tpu.dma_semaphore, #tpu.memory_space<semaphore_mem>>) src(%dma_wait3A_405 : memref<100000x1024xf32, #tpu.memory_space<hbm>>) dst(%arg12 : memref<16x1024xf32, #tpu.memory_space<vmem>>)
      %mul3A_406 = arith.constant 16 : i32
      %mul3A_407 = arith.muli %add3A_400, %mul3A_406 : i32
      %add3A_408 = arith.addi %mul3A_2, %mul3A_407 : i32
      %dma_start3A_409 = arith.constant 0 : i32
      %dma_start3A_410 = tpu.memref_slice %arg6[%add3A_408, %dma_start3A_409] : memref<12288x1024xf32, #tpu.memory_space<hbm>> -> memref<16x1024xf32, #tpu.memory_space<hbm>>
      %dma_start3A_411 = arith.constant 0 : i32
      %dma_start3A_412 = tpu.memref_slice %arg6[%add3A_408, %dma_start3A_411] : memref<12288x1024xf32, #tpu.memory_space<hbm>> -> memref<16x1024xf32, #tpu.memory_space<hbm>>
      tpu.enqueue_dma source(%arg12 : memref<16x1024xf32, #tpu.memory_space<vmem>>) target(%dma_start3A_412 : memref<16x1024xf32, #tpu.memory_space<hbm>>) target_semaphore(%arg20 : memref<!tpu.dma_semaphore, #tpu.memory_space<semaphore_mem>>)
      %mul3A_413 = arith.constant 16 : i32
      %mul3A_414 = arith.muli %add3A_400, %mul3A_413 : i32
      %add3A_415 = arith.addi %mul3A_2, %mul3A_414 : i32
      %dma_wait3A_416 = arith.constant 0 : i32
      %dma_wait3A_417 = tpu.memref_slice %arg6[%add3A_415, %dma_wait3A_416] : memref<12288x1024xf32, #tpu.memory_space<hbm>> -> memref<16x1024xf32, #tpu.memory_space<hbm>>
      %dma_wait3A_418 = arith.constant 0 : i32
      %dma_wait3A_419 = tpu.memref_slice %arg6[%add3A_415, %dma_wait3A_418] : memref<12288x1024xf32, #tpu.memory_space<hbm>> -> memref<16x1024xf32, #tpu.memory_space<hbm>>
      tpu.wait_dma2 semaphore(%arg20 : memref<!tpu.dma_semaphore, #tpu.memory_space<semaphore_mem>>) src(%arg12 : memref<16x1024xf32, #tpu.memory_space<vmem>>) dst(%dma_wait3A_419 : memref<16x1024xf32, #tpu.memory_space<hbm>>)
      %add3A_420 = arith.constant 4 : i32
      %add3A_421 = arith.addi %add3A_400, %add3A_420 : i32
      %mul3A_422 = arith.constant 16 : i32
      %mul3A_423 = arith.muli %add3A_421, %mul3A_422 : i32
      %dma_start3A_424 = tpu.memref_slice %arg8[%mul3A_423] : memref<384xi32, #tpu.memory_space<vmem>> -> memref<16xi32, #tpu.memory_space<vmem>>
      %dma_start3A_425 = arith.constant 0 : i32
      %dma_start3A_426 = arith.constant 0 : i32
      %dma_start3A_427 = tpu.memref_slice %arg2[%dma_start3A_425, %dma_start3A_426] : memref<100000x1024xf32, #tpu.memory_space<hbm>> -> memref<100000x1024xf32, #tpu.memory_space<hbm>>
      tpu.enqueue_indirect_dma source(%dma_start3A_427 : memref<100000x1024xf32, #tpu.memory_space<hbm>>) target(%arg12 : memref<16x1024xf32, #tpu.memory_space<vmem>>) offsets(%dma_start3A_424 : memref<16xi32, #tpu.memory_space<vmem>>) semaphore(%arg16 : memref<!tpu.dma_semaphore, #tpu.memory_space<semaphore_mem>>)
    }
    %scan3A_27 = arith.constant 5 : i32
    %dma_wait3A = arith.constant 0 : i32
    %dma_wait3A_28 = tpu.memref_slice %arg8[%dma_wait3A] : memref<384xi32, #tpu.memory_space<vmem>> -> memref<16xi32, #tpu.memory_space<vmem>>
    %dma_wait3A_29 = arith.constant 0 : i32
    %dma_wait3A_30 = arith.constant 0 : i32
    %dma_wait3A_31 = tpu.memref_slice %arg2[%dma_wait3A_29, %dma_wait3A_30] : memref<100000x1024xf32, #tpu.memory_space<hbm>> -> memref<100000x1024xf32, #tpu.memory_space<hbm>>
    tpu.wait_indirect_dma semaphore(%arg13 : memref<!tpu.dma_semaphore, #tpu.memory_space<semaphore_mem>>) src(%dma_wait3A_31 : memref<100000x1024xf32, #tpu.memory_space<hbm>>) dst(%arg9 : memref<16x1024xf32, #tpu.memory_space<vmem>>)
    %add3A_32 = arith.constant 320 : i32
    %add3A_33 = arith.addi %mul3A_2, %add3A_32 : i32
    %dma_start3A_34 = arith.constant 0 : i32
    %dma_start3A_35 = tpu.memref_slice %arg6[%add3A_33, %dma_start3A_34] : memref<12288x1024xf32, #tpu.memory_space<hbm>> -> memref<16x1024xf32, #tpu.memory_space<hbm>>
    %dma_start3A_36 = arith.constant 0 : i32
    %dma_start3A_37 = tpu.memref_slice %arg6[%add3A_33, %dma_start3A_36] : memref<12288x1024xf32, #tpu.memory_space<hbm>> -> memref<16x1024xf32, #tpu.memory_space<hbm>>
    tpu.enqueue_dma source(%arg9 : memref<16x1024xf32, #tpu.memory_space<vmem>>) target(%dma_start3A_37 : memref<16x1024xf32, #tpu.memory_space<hbm>>) target_semaphore(%arg17 : memref<!tpu.dma_semaphore, #tpu.memory_space<semaphore_mem>>)
    %add3A_38 = arith.constant 320 : i32
    %add3A_39 = arith.addi %mul3A_2, %add3A_38 : i32
    %dma_wait3A_40 = arith.constant 0 : i32
    %dma_wait3A_41 = tpu.memref_slice %arg6[%add3A_39, %dma_wait3A_40] : memref<12288x1024xf32, #tpu.memory_space<hbm>> -> memref<16x1024xf32, #tpu.memory_space<hbm>>
    %dma_wait3A_42 = arith.constant 0 : i32
    %dma_wait3A_43 = tpu.memref_slice %arg6[%add3A_39, %dma_wait3A_42] : memref<12288x1024xf32, #tpu.memory_space<hbm>> -> memref<16x1024xf32, #tpu.memory_space<hbm>>
    tpu.wait_dma2 semaphore(%arg17 : memref<!tpu.dma_semaphore, #tpu.memory_space<semaphore_mem>>) src(%arg9 : memref<16x1024xf32, #tpu.memory_space<vmem>>) dst(%dma_wait3A_43 : memref<16x1024xf32, #tpu.memory_space<hbm>>)
    %dma_wait3A_44 = arith.constant 0 : i32
    %dma_wait3A_45 = tpu.memref_slice %arg8[%dma_wait3A_44] : memref<384xi32, #tpu.memory_space<vmem>> -> memref<16xi32, #tpu.memory_space<vmem>>
    %dma_wait3A_46 = arith.constant 0 : i32
    %dma_wait3A_47 = arith.constant 0 : i32
    %dma_wait3A_48 = tpu.memref_slice %arg2[%dma_wait3A_46, %dma_wait3A_47] : memref<100000x1024xf32, #tpu.memory_space<hbm>> -> memref<100000x1024xf32, #tpu.memory_space<hbm>>
    tpu.wait_indirect_dma semaphore(%arg14 : memref<!tpu.dma_semaphore, #tpu.memory_space<semaphore_mem>>) src(%dma_wait3A_48 : memref<100000x1024xf32, #tpu.memory_space<hbm>>) dst(%arg10 : memref<16x1024xf32, #tpu.memory_space<vmem>>)
    %add3A_49 = arith.constant 336 : i32
    %add3A_50 = arith.addi %mul3A_2, %add3A_49 : i32
    %dma_start3A_51 = arith.constant 0 : i32
    %dma_start3A_52 = tpu.memref_slice %arg6[%add3A_50, %dma_start3A_51] : memref<12288x1024xf32, #tpu.memory_space<hbm>> -> memref<16x1024xf32, #tpu.memory_space<hbm>>
    %dma_start3A_53 = arith.constant 0 : i32
    %dma_start3A_54 = tpu.memref_slice %arg6[%add3A_50, %dma_start3A_53] : memref<12288x1024xf32, #tpu.memory_space<hbm>> -> memref<16x1024xf32, #tpu.memory_space<hbm>>
    tpu.enqueue_dma source(%arg10 : memref<16x1024xf32, #tpu.memory_space<vmem>>) target(%dma_start3A_54 : memref<16x1024xf32, #tpu.memory_space<hbm>>) target_semaphore(%arg18 : memref<!tpu.dma_semaphore, #tpu.memory_space<semaphore_mem>>)
    %add3A_55 = arith.constant 336 : i32
    %add3A_56 = arith.addi %mul3A_2, %add3A_55 : i32
    %dma_wait3A_57 = arith.constant 0 : i32
    %dma_wait3A_58 = tpu.memref_slice %arg6[%add3A_56, %dma_wait3A_57] : memref<12288x1024xf32, #tpu.memory_space<hbm>> -> memref<16x1024xf32, #tpu.memory_space<hbm>>
    %dma_wait3A_59 = arith.constant 0 : i32
    %dma_wait3A_60 = tpu.memref_slice %arg6[%add3A_56, %dma_wait3A_59] : memref<12288x1024xf32, #tpu.memory_space<hbm>> -> memref<16x1024xf32, #tpu.memory_space<hbm>>
    tpu.wait_dma2 semaphore(%arg18 : memref<!tpu.dma_semaphore, #tpu.memory_space<semaphore_mem>>) src(%arg10 : memref<16x1024xf32, #tpu.memory_space<vmem>>) dst(%dma_wait3A_60 : memref<16x1024xf32, #tpu.memory_space<hbm>>)
    %dma_wait3A_61 = arith.constant 0 : i32
    %dma_wait3A_62 = tpu.memref_slice %arg8[%dma_wait3A_61] : memref<384xi32, #tpu.memory_space<vmem>> -> memref<16xi32, #tpu.memory_space<vmem>>
    %dma_wait3A_63 = arith.constant 0 : i32
    %dma_wait3A_64 = arith.constant 0 : i32
    %dma_wait3A_65 = tpu.memref_slice %arg2[%dma_wait3A_63, %dma_wait3A_64] : memref<100000x1024xf32, #tpu.memory_space<hbm>> -> memref<100000x1024xf32, #tpu.memory_space<hbm>>
    tpu.wait_indirect_dma semaphore(%arg15 : memref<!tpu.dma_semaphore, #tpu.memory_space<semaphore_mem>>) src(%dma_wait3A_65 : memref<100000x1024xf32, #tpu.memory_space<hbm>>) dst(%arg11 : memref<16x1024xf32, #tpu.memory_space<vmem>>)
    %add3A_66 = arith.constant 352 : i32
    %add3A_67 = arith.addi %mul3A_2, %add3A_66 : i32
    %dma_start3A_68 = arith.constant 0 : i32
    %dma_start3A_69 = tpu.memref_slice %arg6[%add3A_67, %dma_start3A_68] : memref<12288x1024xf32, #tpu.memory_space<hbm>> -> memref<16x1024xf32, #tpu.memory_space<hbm>>
    %dma_start3A_70 = arith.constant 0 : i32
    %dma_start3A_71 = tpu.memref_slice %arg6[%add3A_67, %dma_start3A_70] : memref<12288x1024xf32, #tpu.memory_space<hbm>> -> memref<16x1024xf32, #tpu.memory_space<hbm>>
    tpu.enqueue_dma source(%arg11 : memref<16x1024xf32, #tpu.memory_space<vmem>>) target(%dma_start3A_71 : memref<16x1024xf32, #tpu.memory_space<hbm>>) target_semaphore(%arg19 : memref<!tpu.dma_semaphore, #tpu.memory_space<semaphore_mem>>)
    %add3A_72 = arith.constant 352 : i32
    %add3A_73 = arith.addi %mul3A_2, %add3A_72 : i32
    %dma_wait3A_74 = arith.constant 0 : i32
    %dma_wait3A_75 = tpu.memref_slice %arg6[%add3A_73, %dma_wait3A_74] : memref<12288x1024xf32, #tpu.memory_space<hbm>> -> memref<16x1024xf32, #tpu.memory_space<hbm>>
    %dma_wait3A_76 = arith.constant 0 : i32
    %dma_wait3A_77 = tpu.memref_slice %arg6[%add3A_73, %dma_wait3A_76] : memref<12288x1024xf32, #tpu.memory_space<hbm>> -> memref<16x1024xf32, #tpu.memory_space<hbm>>
    tpu.wait_dma2 semaphore(%arg19 : memref<!tpu.dma_semaphore, #tpu.memory_space<semaphore_mem>>) src(%arg11 : memref<16x1024xf32, #tpu.memory_space<vmem>>) dst(%dma_wait3A_77 : memref<16x1024xf32, #tpu.memory_space<hbm>>)
    %dma_wait3A_78 = arith.constant 0 : i32
    %dma_wait3A_79 = tpu.memref_slice %arg8[%dma_wait3A_78] : memref<384xi32, #tpu.memory_space<vmem>> -> memref<16xi32, #tpu.memory_space<vmem>>
    %dma_wait3A_80 = arith.constant 0 : i32
    %dma_wait3A_81 = arith.constant 0 : i32
    %dma_wait3A_82 = tpu.memref_slice %arg2[%dma_wait3A_80, %dma_wait3A_81] : memref<100000x1024xf32, #tpu.memory_space<hbm>> -> memref<100000x1024xf32, #tpu.memory_space<hbm>>
    tpu.wait_indirect_dma semaphore(%arg16 : memref<!tpu.dma_semaphore, #tpu.memory_space<semaphore_mem>>) src(%dma_wait3A_82 : memref<100000x1024xf32, #tpu.memory_space<hbm>>) dst(%arg12 : memref<16x1024xf32, #tpu.memory_space<vmem>>)
    %add3A_83 = arith.constant 368 : i32
    %add3A_84 = arith.addi %mul3A_2, %add3A_83 : i32
    %dma_start3A_85 = arith.constant 0 : i32
    %dma_start3A_86 = tpu.memref_slice %arg6[%add3A_84, %dma_start3A_85] : memref<12288x1024xf32, #tpu.memory_space<hbm>> -> memref<16x1024xf32, #tpu.memory_space<hbm>>
    %dma_start3A_87 = arith.constant 0 : i32
    %dma_start3A_88 = tpu.memref_slice %arg6[%add3A_84, %dma_start3A_87] : memref<12288x1024xf32, #tpu.memory_space<hbm>> -> memref<16x1024xf32, #tpu.memory_space<hbm>>
    tpu.enqueue_dma source(%arg12 : memref<16x1024xf32, #tpu.memory_space<vmem>>) target(%dma_start3A_88 : memref<16x1024xf32, #tpu.memory_space<hbm>>) target_semaphore(%arg20 : memref<!tpu.dma_semaphore, #tpu.memory_space<semaphore_mem>>)
    %add3A_89 = arith.constant 368 : i32
    %add3A_90 = arith.addi %mul3A_2, %add3A_89 : i32
    %dma_wait3A_91 = arith.constant 0 : i32
    %dma_wait3A_92 = tpu.memref_slice %arg6[%add3A_90, %dma_wait3A_91] : memref<12288x1024xf32, #tpu.memory_space<hbm>> -> memref<16x1024xf32, #tpu.memory_space<hbm>>
    %dma_wait3A_93 = arith.constant 0 : i32
    %dma_wait3A_94 = tpu.memref_slice %arg6[%add3A_90, %dma_wait3A_93] : memref<12288x1024xf32, #tpu.memory_space<hbm>> -> memref<16x1024xf32, #tpu.memory_space<hbm>>
    tpu.wait_dma2 semaphore(%arg20 : memref<!tpu.dma_semaphore, #tpu.memory_space<semaphore_mem>>) src(%arg12 : memref<16x1024xf32, #tpu.memory_space<vmem>>) dst(%dma_wait3A_94 : memref<16x1024xf32, #tpu.memory_space<hbm>>)
    %add3A_95 = arith.constant 16384 : i32
    %add3A_96 = arith.addi %add3A_95, %mul3A_4 : i32
    %dma_start3A_97 = arith.constant 0 : i32
    %dma_start3A_98 = tpu.memref_slice %arg21[%dma_start3A_97] : memref<512xi32, #tpu.memory_space<vmem>> -> memref<64xi32, #tpu.memory_space<vmem>>
    %dma_start3A_99 = arith.constant 0 : i32
    %dma_start3A_100 = arith.constant 0 : i32
    %dma_start3A_101 = tpu.memref_slice %arg3[%dma_start3A_99, %dma_start3A_100] : memref<100000x128xf32, #tpu.memory_space<hbm>> -> memref<100000x128xf32, #tpu.memory_space<hbm>>
    tpu.enqueue_indirect_dma source(%dma_start3A_101 : memref<100000x128xf32, #tpu.memory_space<hbm>>) target(%arg22 : memref<64x128xf32, #tpu.memory_space<vmem>>) offsets(%dma_start3A_98 : memref<64xi32, #tpu.memory_space<vmem>>) semaphore(%arg13 : memref<!tpu.dma_semaphore, #tpu.memory_space<semaphore_mem>>)
    %dma_start3A_102 = arith.constant 64 : i32
    %dma_start3A_103 = tpu.memref_slice %arg21[%dma_start3A_102] : memref<512xi32, #tpu.memory_space<vmem>> -> memref<64xi32, #tpu.memory_space<vmem>>
    %dma_start3A_104 = arith.constant 0 : i32
    %dma_start3A_105 = arith.constant 0 : i32
    %dma_start3A_106 = tpu.memref_slice %arg3[%dma_start3A_104, %dma_start3A_105] : memref<100000x128xf32, #tpu.memory_space<hbm>> -> memref<100000x128xf32, #tpu.memory_space<hbm>>
    tpu.enqueue_indirect_dma source(%dma_start3A_106 : memref<100000x128xf32, #tpu.memory_space<hbm>>) target(%arg23 : memref<64x128xf32, #tpu.memory_space<vmem>>) offsets(%dma_start3A_103 : memref<64xi32, #tpu.memory_space<vmem>>) semaphore(%arg14 : memref<!tpu.dma_semaphore, #tpu.memory_space<semaphore_mem>>)
    %dma_start3A_107 = arith.constant 128 : i32
    %dma_start3A_108 = tpu.memref_slice %arg21[%dma_start3A_107] : memref<512xi32, #tpu.memory_space<vmem>> -> memref<64xi32, #tpu.memory_space<vmem>>
    %dma_start3A_109 = arith.constant 0 : i32
    %dma_start3A_110 = arith.constant 0 : i32
    %dma_start3A_111 = tpu.memref_slice %arg3[%dma_start3A_109, %dma_start3A_110] : memref<100000x128xf32, #tpu.memory_space<hbm>> -> memref<100000x128xf32, #tpu.memory_space<hbm>>
    tpu.enqueue_indirect_dma source(%dma_start3A_111 : memref<100000x128xf32, #tpu.memory_space<hbm>>) target(%arg24 : memref<64x128xf32, #tpu.memory_space<vmem>>) offsets(%dma_start3A_108 : memref<64xi32, #tpu.memory_space<vmem>>) semaphore(%arg15 : memref<!tpu.dma_semaphore, #tpu.memory_space<semaphore_mem>>)
    %dma_start3A_112 = arith.constant 192 : i32
    %dma_start3A_113 = tpu.memref_slice %arg21[%dma_start3A_112] : memref<512xi32, #tpu.memory_space<vmem>> -> memref<64xi32, #tpu.memory_space<vmem>>
    %dma_start3A_114 = arith.constant 0 : i32
    %dma_start3A_115 = arith.constant 0 : i32
    %dma_start3A_116 = tpu.memref_slice %arg3[%dma_start3A_114, %dma_start3A_115] : memref<100000x128xf32, #tpu.memory_space<hbm>> -> memref<100000x128xf32, #tpu.memory_space<hbm>>
    tpu.enqueue_indirect_dma source(%dma_start3A_116 : memref<100000x128xf32, #tpu.memory_space<hbm>>) target(%arg25 : memref<64x128xf32, #tpu.memory_space<vmem>>) offsets(%dma_start3A_113 : memref<64xi32, #tpu.memory_space<vmem>>) semaphore(%arg16 : memref<!tpu.dma_semaphore, #tpu.memory_space<semaphore_mem>>)
    %scan3A_117 = arith.constant 0 : i32
    %mul3A_118 = arith.constant 4 : i32
    %mul3A_119 = arith.muli %scan3A_117, %mul3A_118 : i32
    %add3A_120 = arith.constant 0 : i32
    %add3A_121 = arith.addi %add3A_120, %mul3A_119 : i32
    %add3A_122 = arith.constant 0 : i32
    %add3A_123 = arith.addi %add3A_121, %add3A_122 : i32
    %dma_wait3A_124 = arith.constant 0 : i32
    %dma_wait3A_125 = tpu.memref_slice %arg21[%dma_wait3A_124] : memref<512xi32, #tpu.memory_space<vmem>> -> memref<64xi32, #tpu.memory_space<vmem>>
    %dma_wait3A_126 = arith.constant 0 : i32
    %dma_wait3A_127 = arith.constant 0 : i32
    %dma_wait3A_128 = tpu.memref_slice %arg3[%dma_wait3A_126, %dma_wait3A_127] : memref<100000x128xf32, #tpu.memory_space<hbm>> -> memref<100000x128xf32, #tpu.memory_space<hbm>>
    tpu.wait_indirect_dma semaphore(%arg13 : memref<!tpu.dma_semaphore, #tpu.memory_space<semaphore_mem>>) src(%dma_wait3A_128 : memref<100000x128xf32, #tpu.memory_space<hbm>>) dst(%arg22 : memref<64x128xf32, #tpu.memory_space<vmem>>)
    %mul3A_129 = arith.constant 64 : i32
    %mul3A_130 = arith.muli %add3A_123, %mul3A_129 : i32
    %add3A_131 = arith.addi %add3A_96, %mul3A_130 : i32
    %dma_start3A_132 = arith.constant 0 : i32
    %dma_start3A_133 = tpu.memref_slice %arg7[%add3A_131, %dma_start3A_132] : memref<32768x128xf32, #tpu.memory_space<hbm>> -> memref<64x128xf32, #tpu.memory_space<hbm>>
    %dma_start3A_134 = arith.constant 0 : i32
    %dma_start3A_135 = tpu.memref_slice %arg7[%add3A_131, %dma_start3A_134] : memref<32768x128xf32, #tpu.memory_space<hbm>> -> memref<64x128xf32, #tpu.memory_space<hbm>>
    tpu.enqueue_dma source(%arg22 : memref<64x128xf32, #tpu.memory_space<vmem>>) target(%dma_start3A_135 : memref<64x128xf32, #tpu.memory_space<hbm>>) target_semaphore(%arg17 : memref<!tpu.dma_semaphore, #tpu.memory_space<semaphore_mem>>)
    %mul3A_136 = arith.constant 64 : i32
    %mul3A_137 = arith.muli %add3A_123, %mul3A_136 : i32
    %add3A_138 = arith.addi %add3A_96, %mul3A_137 : i32
    %dma_wait3A_139 = arith.constant 0 : i32
    %dma_wait3A_140 = tpu.memref_slice %arg7[%add3A_138, %dma_wait3A_139] : memref<32768x128xf32, #tpu.memory_space<hbm>> -> memref<64x128xf32, #tpu.memory_space<hbm>>
    %dma_wait3A_141 = arith.constant 0 : i32
    %dma_wait3A_142 = tpu.memref_slice %arg7[%add3A_138, %dma_wait3A_141] : memref<32768x128xf32, #tpu.memory_space<hbm>> -> memref<64x128xf32, #tpu.memory_space<hbm>>
    tpu.wait_dma2 semaphore(%arg17 : memref<!tpu.dma_semaphore, #tpu.memory_space<semaphore_mem>>) src(%arg22 : memref<64x128xf32, #tpu.memory_space<vmem>>) dst(%dma_wait3A_142 : memref<64x128xf32, #tpu.memory_space<hbm>>)
    %add3A_143 = arith.constant 4 : i32
    %add3A_144 = arith.addi %add3A_123, %add3A_143 : i32
    %mul3A_145 = arith.constant 64 : i32
    %mul3A_146 = arith.muli %add3A_144, %mul3A_145 : i32
    %dma_start3A_147 = tpu.memref_slice %arg21[%mul3A_146] : memref<512xi32, #tpu.memory_space<vmem>> -> memref<64xi32, #tpu.memory_space<vmem>>
    %dma_start3A_148 = arith.constant 0 : i32
    %dma_start3A_149 = arith.constant 0 : i32
    %dma_start3A_150 = tpu.memref_slice %arg3[%dma_start3A_148, %dma_start3A_149] : memref<100000x128xf32, #tpu.memory_space<hbm>> -> memref<100000x128xf32, #tpu.memory_space<hbm>>
    tpu.enqueue_indirect_dma source(%dma_start3A_150 : memref<100000x128xf32, #tpu.memory_space<hbm>>) target(%arg22 : memref<64x128xf32, #tpu.memory_space<vmem>>) offsets(%dma_start3A_147 : memref<64xi32, #tpu.memory_space<vmem>>) semaphore(%arg13 : memref<!tpu.dma_semaphore, #tpu.memory_space<semaphore_mem>>)
    %add3A_151 = arith.constant 1 : i32
    %add3A_152 = arith.addi %add3A_121, %add3A_151 : i32
    %dma_wait3A_153 = arith.constant 0 : i32
    %dma_wait3A_154 = tpu.memref_slice %arg21[%dma_wait3A_153] : memref<512xi32, #tpu.memory_space<vmem>> -> memref<64xi32, #tpu.memory_space<vmem>>
    %dma_wait3A_155 = arith.constant 0 : i32
    %dma_wait3A_156 = arith.constant 0 : i32
    %dma_wait3A_157 = tpu.memref_slice %arg3[%dma_wait3A_155, %dma_wait3A_156] : memref<100000x128xf32, #tpu.memory_space<hbm>> -> memref<100000x128xf32, #tpu.memory_space<hbm>>
    tpu.wait_indirect_dma semaphore(%arg14 : memref<!tpu.dma_semaphore, #tpu.memory_space<semaphore_mem>>) src(%dma_wait3A_157 : memref<100000x128xf32, #tpu.memory_space<hbm>>) dst(%arg23 : memref<64x128xf32, #tpu.memory_space<vmem>>)
    %mul3A_158 = arith.constant 64 : i32
    %mul3A_159 = arith.muli %add3A_152, %mul3A_158 : i32
    %add3A_160 = arith.addi %add3A_96, %mul3A_159 : i32
    %dma_start3A_161 = arith.constant 0 : i32
    %dma_start3A_162 = tpu.memref_slice %arg7[%add3A_160, %dma_start3A_161] : memref<32768x128xf32, #tpu.memory_space<hbm>> -> memref<64x128xf32, #tpu.memory_space<hbm>>
    %dma_start3A_163 = arith.constant 0 : i32
    %dma_start3A_164 = tpu.memref_slice %arg7[%add3A_160, %dma_start3A_163] : memref<32768x128xf32, #tpu.memory_space<hbm>> -> memref<64x128xf32, #tpu.memory_space<hbm>>
    tpu.enqueue_dma source(%arg23 : memref<64x128xf32, #tpu.memory_space<vmem>>) target(%dma_start3A_164 : memref<64x128xf32, #tpu.memory_space<hbm>>) target_semaphore(%arg18 : memref<!tpu.dma_semaphore, #tpu.memory_space<semaphore_mem>>)
    %mul3A_165 = arith.constant 64 : i32
    %mul3A_166 = arith.muli %add3A_152, %mul3A_165 : i32
    %add3A_167 = arith.addi %add3A_96, %mul3A_166 : i32
    %dma_wait3A_168 = arith.constant 0 : i32
    %dma_wait3A_169 = tpu.memref_slice %arg7[%add3A_167, %dma_wait3A_168] : memref<32768x128xf32, #tpu.memory_space<hbm>> -> memref<64x128xf32, #tpu.memory_space<hbm>>
    %dma_wait3A_170 = arith.constant 0 : i32
    %dma_wait3A_171 = tpu.memref_slice %arg7[%add3A_167, %dma_wait3A_170] : memref<32768x128xf32, #tpu.memory_space<hbm>> -> memref<64x128xf32, #tpu.memory_space<hbm>>
    tpu.wait_dma2 semaphore(%arg18 : memref<!tpu.dma_semaphore, #tpu.memory_space<semaphore_mem>>) src(%arg23 : memref<64x128xf32, #tpu.memory_space<vmem>>) dst(%dma_wait3A_171 : memref<64x128xf32, #tpu.memory_space<hbm>>)
    %add3A_172 = arith.constant 4 : i32
    %add3A_173 = arith.addi %add3A_152, %add3A_172 : i32
    %mul3A_174 = arith.constant 64 : i32
    %mul3A_175 = arith.muli %add3A_173, %mul3A_174 : i32
    %dma_start3A_176 = tpu.memref_slice %arg21[%mul3A_175] : memref<512xi32, #tpu.memory_space<vmem>> -> memref<64xi32, #tpu.memory_space<vmem>>
    %dma_start3A_177 = arith.constant 0 : i32
    %dma_start3A_178 = arith.constant 0 : i32
    %dma_start3A_179 = tpu.memref_slice %arg3[%dma_start3A_177, %dma_start3A_178] : memref<100000x128xf32, #tpu.memory_space<hbm>> -> memref<100000x128xf32, #tpu.memory_space<hbm>>
    tpu.enqueue_indirect_dma source(%dma_start3A_179 : memref<100000x128xf32, #tpu.memory_space<hbm>>) target(%arg23 : memref<64x128xf32, #tpu.memory_space<vmem>>) offsets(%dma_start3A_176 : memref<64xi32, #tpu.memory_space<vmem>>) semaphore(%arg14 : memref<!tpu.dma_semaphore, #tpu.memory_space<semaphore_mem>>)
    %add3A_180 = arith.constant 2 : i32
    %add3A_181 = arith.addi %add3A_121, %add3A_180 : i32
    %dma_wait3A_182 = arith.constant 0 : i32
    %dma_wait3A_183 = tpu.memref_slice %arg21[%dma_wait3A_182] : memref<512xi32, #tpu.memory_space<vmem>> -> memref<64xi32, #tpu.memory_space<vmem>>
    %dma_wait3A_184 = arith.constant 0 : i32
    %dma_wait3A_185 = arith.constant 0 : i32
    %dma_wait3A_186 = tpu.memref_slice %arg3[%dma_wait3A_184, %dma_wait3A_185] : memref<100000x128xf32, #tpu.memory_space<hbm>> -> memref<100000x128xf32, #tpu.memory_space<hbm>>
    tpu.wait_indirect_dma semaphore(%arg15 : memref<!tpu.dma_semaphore, #tpu.memory_space<semaphore_mem>>) src(%dma_wait3A_186 : memref<100000x128xf32, #tpu.memory_space<hbm>>) dst(%arg24 : memref<64x128xf32, #tpu.memory_space<vmem>>)
    %mul3A_187 = arith.constant 64 : i32
    %mul3A_188 = arith.muli %add3A_181, %mul3A_187 : i32
    %add3A_189 = arith.addi %add3A_96, %mul3A_188 : i32
    %dma_start3A_190 = arith.constant 0 : i32
    %dma_start3A_191 = tpu.memref_slice %arg7[%add3A_189, %dma_start3A_190] : memref<32768x128xf32, #tpu.memory_space<hbm>> -> memref<64x128xf32, #tpu.memory_space<hbm>>
    %dma_start3A_192 = arith.constant 0 : i32
    %dma_start3A_193 = tpu.memref_slice %arg7[%add3A_189, %dma_start3A_192] : memref<32768x128xf32, #tpu.memory_space<hbm>> -> memref<64x128xf32, #tpu.memory_space<hbm>>
    tpu.enqueue_dma source(%arg24 : memref<64x128xf32, #tpu.memory_space<vmem>>) target(%dma_start3A_193 : memref<64x128xf32, #tpu.memory_space<hbm>>) target_semaphore(%arg19 : memref<!tpu.dma_semaphore, #tpu.memory_space<semaphore_mem>>)
    %mul3A_194 = arith.constant 64 : i32
    %mul3A_195 = arith.muli %add3A_181, %mul3A_194 : i32
    %add3A_196 = arith.addi %add3A_96, %mul3A_195 : i32
    %dma_wait3A_197 = arith.constant 0 : i32
    %dma_wait3A_198 = tpu.memref_slice %arg7[%add3A_196, %dma_wait3A_197] : memref<32768x128xf32, #tpu.memory_space<hbm>> -> memref<64x128xf32, #tpu.memory_space<hbm>>
    %dma_wait3A_199 = arith.constant 0 : i32
    %dma_wait3A_200 = tpu.memref_slice %arg7[%add3A_196, %dma_wait3A_199] : memref<32768x128xf32, #tpu.memory_space<hbm>> -> memref<64x128xf32, #tpu.memory_space<hbm>>
    tpu.wait_dma2 semaphore(%arg19 : memref<!tpu.dma_semaphore, #tpu.memory_space<semaphore_mem>>) src(%arg24 : memref<64x128xf32, #tpu.memory_space<vmem>>) dst(%dma_wait3A_200 : memref<64x128xf32, #tpu.memory_space<hbm>>)
    %add3A_201 = arith.constant 4 : i32
    %add3A_202 = arith.addi %add3A_181, %add3A_201 : i32
    %mul3A_203 = arith.constant 64 : i32
    %mul3A_204 = arith.muli %add3A_202, %mul3A_203 : i32
    %dma_start3A_205 = tpu.memref_slice %arg21[%mul3A_204] : memref<512xi32, #tpu.memory_space<vmem>> -> memref<64xi32, #tpu.memory_space<vmem>>
    %dma_start3A_206 = arith.constant 0 : i32
    %dma_start3A_207 = arith.constant 0 : i32
    %dma_start3A_208 = tpu.memref_slice %arg3[%dma_start3A_206, %dma_start3A_207] : memref<100000x128xf32, #tpu.memory_space<hbm>> -> memref<100000x128xf32, #tpu.memory_space<hbm>>
    tpu.enqueue_indirect_dma source(%dma_start3A_208 : memref<100000x128xf32, #tpu.memory_space<hbm>>) target(%arg24 : memref<64x128xf32, #tpu.memory_space<vmem>>) offsets(%dma_start3A_205 : memref<64xi32, #tpu.memory_space<vmem>>) semaphore(%arg15 : memref<!tpu.dma_semaphore, #tpu.memory_space<semaphore_mem>>)
    %add3A_209 = arith.constant 3 : i32
    %add3A_210 = arith.addi %add3A_121, %add3A_209 : i32
    %dma_wait3A_211 = arith.constant 0 : i32
    %dma_wait3A_212 = tpu.memref_slice %arg21[%dma_wait3A_211] : memref<512xi32, #tpu.memory_space<vmem>> -> memref<64xi32, #tpu.memory_space<vmem>>
    %dma_wait3A_213 = arith.constant 0 : i32
    %dma_wait3A_214 = arith.constant 0 : i32
    %dma_wait3A_215 = tpu.memref_slice %arg3[%dma_wait3A_213, %dma_wait3A_214] : memref<100000x128xf32, #tpu.memory_space<hbm>> -> memref<100000x128xf32, #tpu.memory_space<hbm>>
    tpu.wait_indirect_dma semaphore(%arg16 : memref<!tpu.dma_semaphore, #tpu.memory_space<semaphore_mem>>) src(%dma_wait3A_215 : memref<100000x128xf32, #tpu.memory_space<hbm>>) dst(%arg25 : memref<64x128xf32, #tpu.memory_space<vmem>>)
    %mul3A_216 = arith.constant 64 : i32
    %mul3A_217 = arith.muli %add3A_210, %mul3A_216 : i32
    %add3A_218 = arith.addi %add3A_96, %mul3A_217 : i32
    %dma_start3A_219 = arith.constant 0 : i32
    %dma_start3A_220 = tpu.memref_slice %arg7[%add3A_218, %dma_start3A_219] : memref<32768x128xf32, #tpu.memory_space<hbm>> -> memref<64x128xf32, #tpu.memory_space<hbm>>
    %dma_start3A_221 = arith.constant 0 : i32
    %dma_start3A_222 = tpu.memref_slice %arg7[%add3A_218, %dma_start3A_221] : memref<32768x128xf32, #tpu.memory_space<hbm>> -> memref<64x128xf32, #tpu.memory_space<hbm>>
    tpu.enqueue_dma source(%arg25 : memref<64x128xf32, #tpu.memory_space<vmem>>) target(%dma_start3A_222 : memref<64x128xf32, #tpu.memory_space<hbm>>) target_semaphore(%arg20 : memref<!tpu.dma_semaphore, #tpu.memory_space<semaphore_mem>>)
    %mul3A_223 = arith.constant 64 : i32
    %mul3A_224 = arith.muli %add3A_210, %mul3A_223 : i32
    %add3A_225 = arith.addi %add3A_96, %mul3A_224 : i32
    %dma_wait3A_226 = arith.constant 0 : i32
    %dma_wait3A_227 = tpu.memref_slice %arg7[%add3A_225, %dma_wait3A_226] : memref<32768x128xf32, #tpu.memory_space<hbm>> -> memref<64x128xf32, #tpu.memory_space<hbm>>
    %dma_wait3A_228 = arith.constant 0 : i32
    %dma_wait3A_229 = tpu.memref_slice %arg7[%add3A_225, %dma_wait3A_228] : memref<32768x128xf32, #tpu.memory_space<hbm>> -> memref<64x128xf32, #tpu.memory_space<hbm>>
    tpu.wait_dma2 semaphore(%arg20 : memref<!tpu.dma_semaphore, #tpu.memory_space<semaphore_mem>>) src(%arg25 : memref<64x128xf32, #tpu.memory_space<vmem>>) dst(%dma_wait3A_229 : memref<64x128xf32, #tpu.memory_space<hbm>>)
    %add3A_230 = arith.constant 4 : i32
    %add3A_231 = arith.addi %add3A_210, %add3A_230 : i32
    %mul3A_232 = arith.constant 64 : i32
    %mul3A_233 = arith.muli %add3A_231, %mul3A_232 : i32
    %dma_start3A_234 = tpu.memref_slice %arg21[%mul3A_233] : memref<512xi32, #tpu.memory_space<vmem>> -> memref<64xi32, #tpu.memory_space<vmem>>
    %dma_start3A_235 = arith.constant 0 : i32
    %dma_start3A_236 = arith.constant 0 : i32
    %dma_start3A_237 = tpu.memref_slice %arg3[%dma_start3A_235, %dma_start3A_236] : memref<100000x128xf32, #tpu.memory_space<hbm>> -> memref<100000x128xf32, #tpu.memory_space<hbm>>
    tpu.enqueue_indirect_dma source(%dma_start3A_237 : memref<100000x128xf32, #tpu.memory_space<hbm>>) target(%arg25 : memref<64x128xf32, #tpu.memory_space<vmem>>) offsets(%dma_start3A_234 : memref<64xi32, #tpu.memory_space<vmem>>) semaphore(%arg16 : memref<!tpu.dma_semaphore, #tpu.memory_space<semaphore_mem>>)
    %scan3A_238 = arith.constant 1 : i32
    %dma_wait3A_239 = arith.constant 0 : i32
    %dma_wait3A_240 = tpu.memref_slice %arg21[%dma_wait3A_239] : memref<512xi32, #tpu.memory_space<vmem>> -> memref<64xi32, #tpu.memory_space<vmem>>
    %dma_wait3A_241 = arith.constant 0 : i32
    %dma_wait3A_242 = arith.constant 0 : i32
    %dma_wait3A_243 = tpu.memref_slice %arg3[%dma_wait3A_241, %dma_wait3A_242] : memref<100000x128xf32, #tpu.memory_space<hbm>> -> memref<100000x128xf32, #tpu.memory_space<hbm>>
    tpu.wait_indirect_dma semaphore(%arg13 : memref<!tpu.dma_semaphore, #tpu.memory_space<semaphore_mem>>) src(%dma_wait3A_243 : memref<100000x128xf32, #tpu.memory_space<hbm>>) dst(%arg22 : memref<64x128xf32, #tpu.memory_space<vmem>>)
    %add3A_244 = arith.constant 256 : i32
    %add3A_245 = arith.addi %add3A_96, %add3A_244 : i32
    %dma_start3A_246 = arith.constant 0 : i32
    %dma_start3A_247 = tpu.memref_slice %arg7[%add3A_245, %dma_start3A_246] : memref<32768x128xf32, #tpu.memory_space<hbm>> -> memref<64x128xf32, #tpu.memory_space<hbm>>
    %dma_start3A_248 = arith.constant 0 : i32
    %dma_start3A_249 = tpu.memref_slice %arg7[%add3A_245, %dma_start3A_248] : memref<32768x128xf32, #tpu.memory_space<hbm>> -> memref<64x128xf32, #tpu.memory_space<hbm>>
    tpu.enqueue_dma source(%arg22 : memref<64x128xf32, #tpu.memory_space<vmem>>) target(%dma_start3A_249 : memref<64x128xf32, #tpu.memory_space<hbm>>) target_semaphore(%arg17 : memref<!tpu.dma_semaphore, #tpu.memory_space<semaphore_mem>>)
    %add3A_250 = arith.constant 256 : i32
    %add3A_251 = arith.addi %add3A_96, %add3A_250 : i32
    %dma_wait3A_252 = arith.constant 0 : i32
    %dma_wait3A_253 = tpu.memref_slice %arg7[%add3A_251, %dma_wait3A_252] : memref<32768x128xf32, #tpu.memory_space<hbm>> -> memref<64x128xf32, #tpu.memory_space<hbm>>
    %dma_wait3A_254 = arith.constant 0 : i32
    %dma_wait3A_255 = tpu.memref_slice %arg7[%add3A_251, %dma_wait3A_254] : memref<32768x128xf32, #tpu.memory_space<hbm>> -> memref<64x128xf32, #tpu.memory_space<hbm>>
    tpu.wait_dma2 semaphore(%arg17 : memref<!tpu.dma_semaphore, #tpu.memory_space<semaphore_mem>>) src(%arg22 : memref<64x128xf32, #tpu.memory_space<vmem>>) dst(%dma_wait3A_255 : memref<64x128xf32, #tpu.memory_space<hbm>>)
    %dma_wait3A_256 = arith.constant 0 : i32
    %dma_wait3A_257 = tpu.memref_slice %arg21[%dma_wait3A_256] : memref<512xi32, #tpu.memory_space<vmem>> -> memref<64xi32, #tpu.memory_space<vmem>>
    %dma_wait3A_258 = arith.constant 0 : i32
    %dma_wait3A_259 = arith.constant 0 : i32
    %dma_wait3A_260 = tpu.memref_slice %arg3[%dma_wait3A_258, %dma_wait3A_259] : memref<100000x128xf32, #tpu.memory_space<hbm>> -> memref<100000x128xf32, #tpu.memory_space<hbm>>
    tpu.wait_indirect_dma semaphore(%arg14 : memref<!tpu.dma_semaphore, #tpu.memory_space<semaphore_mem>>) src(%dma_wait3A_260 : memref<100000x128xf32, #tpu.memory_space<hbm>>) dst(%arg23 : memref<64x128xf32, #tpu.memory_space<vmem>>)
    %add3A_261 = arith.constant 320 : i32
    %add3A_262 = arith.addi %add3A_96, %add3A_261 : i32
    %dma_start3A_263 = arith.constant 0 : i32
    %dma_start3A_264 = tpu.memref_slice %arg7[%add3A_262, %dma_start3A_263] : memref<32768x128xf32, #tpu.memory_space<hbm>> -> memref<64x128xf32, #tpu.memory_space<hbm>>
    %dma_start3A_265 = arith.constant 0 : i32
    %dma_start3A_266 = tpu.memref_slice %arg7[%add3A_262, %dma_start3A_265] : memref<32768x128xf32, #tpu.memory_space<hbm>> -> memref<64x128xf32, #tpu.memory_space<hbm>>
    tpu.enqueue_dma source(%arg23 : memref<64x128xf32, #tpu.memory_space<vmem>>) target(%dma_start3A_266 : memref<64x128xf32, #tpu.memory_space<hbm>>) target_semaphore(%arg18 : memref<!tpu.dma_semaphore, #tpu.memory_space<semaphore_mem>>)
    %add3A_267 = arith.constant 320 : i32
    %add3A_268 = arith.addi %add3A_96, %add3A_267 : i32
    %dma_wait3A_269 = arith.constant 0 : i32
    %dma_wait3A_270 = tpu.memref_slice %arg7[%add3A_268, %dma_wait3A_269] : memref<32768x128xf32, #tpu.memory_space<hbm>> -> memref<64x128xf32, #tpu.memory_space<hbm>>
    %dma_wait3A_271 = arith.constant 0 : i32
    %dma_wait3A_272 = tpu.memref_slice %arg7[%add3A_268, %dma_wait3A_271] : memref<32768x128xf32, #tpu.memory_space<hbm>> -> memref<64x128xf32, #tpu.memory_space<hbm>>
    tpu.wait_dma2 semaphore(%arg18 : memref<!tpu.dma_semaphore, #tpu.memory_space<semaphore_mem>>) src(%arg23 : memref<64x128xf32, #tpu.memory_space<vmem>>) dst(%dma_wait3A_272 : memref<64x128xf32, #tpu.memory_space<hbm>>)
    %dma_wait3A_273 = arith.constant 0 : i32
    %dma_wait3A_274 = tpu.memref_slice %arg21[%dma_wait3A_273] : memref<512xi32, #tpu.memory_space<vmem>> -> memref<64xi32, #tpu.memory_space<vmem>>
    %dma_wait3A_275 = arith.constant 0 : i32
    %dma_wait3A_276 = arith.constant 0 : i32
    %dma_wait3A_277 = tpu.memref_slice %arg3[%dma_wait3A_275, %dma_wait3A_276] : memref<100000x128xf32, #tpu.memory_space<hbm>> -> memref<100000x128xf32, #tpu.memory_space<hbm>>
    tpu.wait_indirect_dma semaphore(%arg15 : memref<!tpu.dma_semaphore, #tpu.memory_space<semaphore_mem>>) src(%dma_wait3A_277 : memref<100000x128xf32, #tpu.memory_space<hbm>>) dst(%arg24 : memref<64x128xf32, #tpu.memory_space<vmem>>)
    %add3A_278 = arith.constant 384 : i32
    %add3A_279 = arith.addi %add3A_96, %add3A_278 : i32
    %dma_start3A_280 = arith.constant 0 : i32
    %dma_start3A_281 = tpu.memref_slice %arg7[%add3A_279, %dma_start3A_280] : memref<32768x128xf32, #tpu.memory_space<hbm>> -> memref<64x128xf32, #tpu.memory_space<hbm>>
    %dma_start3A_282 = arith.constant 0 : i32
    %dma_start3A_283 = tpu.memref_slice %arg7[%add3A_279, %dma_start3A_282] : memref<32768x128xf32, #tpu.memory_space<hbm>> -> memref<64x128xf32, #tpu.memory_space<hbm>>
    tpu.enqueue_dma source(%arg24 : memref<64x128xf32, #tpu.memory_space<vmem>>) target(%dma_start3A_283 : memref<64x128xf32, #tpu.memory_space<hbm>>) target_semaphore(%arg19 : memref<!tpu.dma_semaphore, #tpu.memory_space<semaphore_mem>>)
    %add3A_284 = arith.constant 384 : i32
    %add3A_285 = arith.addi %add3A_96, %add3A_284 : i32
    %dma_wait3A_286 = arith.constant 0 : i32
    %dma_wait3A_287 = tpu.memref_slice %arg7[%add3A_285, %dma_wait3A_286] : memref<32768x128xf32, #tpu.memory_space<hbm>> -> memref<64x128xf32, #tpu.memory_space<hbm>>
    %dma_wait3A_288 = arith.constant 0 : i32
    %dma_wait3A_289 = tpu.memref_slice %arg7[%add3A_285, %dma_wait3A_288] : memref<32768x128xf32, #tpu.memory_space<hbm>> -> memref<64x128xf32, #tpu.memory_space<hbm>>
    tpu.wait_dma2 semaphore(%arg19 : memref<!tpu.dma_semaphore, #tpu.memory_space<semaphore_mem>>) src(%arg24 : memref<64x128xf32, #tpu.memory_space<vmem>>) dst(%dma_wait3A_289 : memref<64x128xf32, #tpu.memory_space<hbm>>)
    %dma_wait3A_290 = arith.constant 0 : i32
    %dma_wait3A_291 = tpu.memref_slice %arg21[%dma_wait3A_290] : memref<512xi32, #tpu.memory_space<vmem>> -> memref<64xi32, #tpu.memory_space<vmem>>
    %dma_wait3A_292 = arith.constant 0 : i32
    %dma_wait3A_293 = arith.constant 0 : i32
    %dma_wait3A_294 = tpu.memref_slice %arg3[%dma_wait3A_292, %dma_wait3A_293] : memref<100000x128xf32, #tpu.memory_space<hbm>> -> memref<100000x128xf32, #tpu.memory_space<hbm>>
    tpu.wait_indirect_dma semaphore(%arg16 : memref<!tpu.dma_semaphore, #tpu.memory_space<semaphore_mem>>) src(%dma_wait3A_294 : memref<100000x128xf32, #tpu.memory_space<hbm>>) dst(%arg25 : memref<64x128xf32, #tpu.memory_space<vmem>>)
    %add3A_295 = arith.constant 448 : i32
    %add3A_296 = arith.addi %add3A_96, %add3A_295 : i32
    %dma_start3A_297 = arith.constant 0 : i32
    %dma_start3A_298 = tpu.memref_slice %arg7[%add3A_296, %dma_start3A_297] : memref<32768x128xf32, #tpu.memory_space<hbm>> -> memref<64x128xf32, #tpu.memory_space<hbm>>
    %dma_start3A_299 = arith.constant 0 : i32
    %dma_start3A_300 = tpu.memref_slice %arg7[%add3A_296, %dma_start3A_299] : memref<32768x128xf32, #tpu.memory_space<hbm>> -> memref<64x128xf32, #tpu.memory_space<hbm>>
    tpu.enqueue_dma source(%arg25 : memref<64x128xf32, #tpu.memory_space<vmem>>) target(%dma_start3A_300 : memref<64x128xf32, #tpu.memory_space<hbm>>) target_semaphore(%arg20 : memref<!tpu.dma_semaphore, #tpu.memory_space<semaphore_mem>>)
    %add3A_301 = arith.constant 448 : i32
    %add3A_302 = arith.addi %add3A_96, %add3A_301 : i32
    %dma_wait3A_303 = arith.constant 0 : i32
    %dma_wait3A_304 = tpu.memref_slice %arg7[%add3A_302, %dma_wait3A_303] : memref<32768x128xf32, #tpu.memory_space<hbm>> -> memref<64x128xf32, #tpu.memory_space<hbm>>
    %dma_wait3A_305 = arith.constant 0 : i32
    %dma_wait3A_306 = tpu.memref_slice %arg7[%add3A_302, %dma_wait3A_305] : memref<32768x128xf32, #tpu.memory_space<hbm>> -> memref<64x128xf32, #tpu.memory_space<hbm>>
    tpu.wait_dma2 semaphore(%arg20 : memref<!tpu.dma_semaphore, #tpu.memory_space<semaphore_mem>>) src(%arg25 : memref<64x128xf32, #tpu.memory_space<vmem>>) dst(%dma_wait3A_306 : memref<64x128xf32, #tpu.memory_space<hbm>>)
    return
  }
}

module attributes {stable_mosaic.version = 14 : i64} {
  func.func @_proj_body(%arg0: i32, %arg1: memref<2048x1024xf32, #tpu.memory_space<vmem>>, %arg2: memref<128x1024xf32, #tpu.memory_space<vmem>>, %arg3: memref<1x128xf32, #tpu.memory_space<vmem>>, %arg4: memref<32768x128xf32, #tpu.memory_space<any>>, %arg5: memref<2048x128xf32, #tpu.memory_space<vmem>>) attributes {dimension_semantics = [#tpu.dimension_semantics<arbitrary>], iteration_bounds = array<i64: 2>, scalar_prefetch = 0 : i64, scratch_operands = 0 : i64, tpu.core_type = #tpu.core_type<tc>, window_params = [{transform_indices = @transform_0, window_bounds = array<i64: 2048, 1024>}, {pipeline_mode = #tpu.pipeline_mode<synchronous>, transform_indices = @transform_1, window_bounds = array<i64: 128, 1024>}, {pipeline_mode = #tpu.pipeline_mode<synchronous>, transform_indices = @transform_2, window_bounds = array<i64: 1, 128>}, {}, {transform_indices = @transform_4, window_bounds = array<i64: 2048, 128>}]} {
    %get3A = arith.constant 0 : index
    %get3A_0 = arith.constant 0 : index
    %get3A_1 = vector.load %arg1[%get3A, %get3A_0] : memref<2048x1024xf32, #tpu.memory_space<vmem>>, vector<2048x1024xf32>
    %convert_element_type3A = arith.truncf %get3A_1 : vector<2048x1024xf32> to vector<2048x1024xbf16>
    %get3A_2 = arith.constant 0 : index
    %get3A_3 = arith.constant 0 : index
    %get3A_4 = vector.load %arg2[%get3A_2, %get3A_3] : memref<128x1024xf32, #tpu.memory_space<vmem>>, vector<128x1024xf32>
    %convert_element_type3A_5 = arith.truncf %get3A_4 : vector<128x1024xf32> to vector<128x1024xbf16>
    %dot_general3A = arith.constant dense<0.000000e+00> : vector<2048x128xf32>
    %dot_general3A_6 = tpu.matmul %convert_element_type3A, %convert_element_type3A_5, %dot_general3A {dimension_numbers = #tpu.dot_dimension_numbers<[1], [1], [0], [0], [0, 0, 1, 0], [], []>, transpose_lhs_hint = false} : vector<2048x1024xbf16>, vector<128x1024xbf16>, vector<2048x128xf32> -> vector<2048x128xf32>
    %get3A_7 = arith.constant 0 : index
    %get3A_8 = arith.constant 0 : index
    %get3A_9 = vector.load %arg3[%get3A_7, %get3A_8] : memref<1x128xf32, #tpu.memory_space<vmem>>, vector<1x128xf32>
    %add3A = vector.broadcast %get3A_9 : vector<1x128xf32> to vector<2048x128xf32>
    %add3A_10 = arith.addf %dot_general3A_6, %add3A : vector<2048x128xf32>
    %swap3A = arith.constant 0 : index
    %swap3A_11 = arith.constant 0 : index
    %swap3A_12 = vector.load %arg5[%swap3A, %swap3A_11] : memref<2048x128xf32, #tpu.memory_space<vmem>>, vector<2048x128xf32>
    tpu.vector_store %arg5[%swap3A, %swap3A_11], %add3A_10 {strides = array<i32>} : memref<2048x128xf32, #tpu.memory_space<vmem>>, vector<2048x128xf32>,
    return
  }
  func.func @transform_0(%arg0: i32) -> (i32, i32) {
    %c0_i32 = arith.constant 0 : i32
    %c0_i32_0 = arith.constant 0 : i32
    return %arg0, %c0_i32 : i32, i32
  }
  func.func @transform_1(%arg0: i32) -> (i32, i32) {
    %c0_i32 = arith.constant 0 : i32
    %c0_i32_0 = arith.constant 0 : i32
    %c0_i32_1 = arith.constant 0 : i32
    return %c0_i32, %c0_i32_0 : i32, i32
  }
  func.func @transform_2(%arg0: i32) -> (i32, i32) {
    %c0_i32 = arith.constant 0 : i32
    %c0_i32_0 = arith.constant 0 : i32
    %c0_i32_1 = arith.constant 0 : i32
    return %c0_i32, %c0_i32_0 : i32, i32
  }
  func.func @transform_4(%arg0: i32) -> (i32, i32) {
    %add3A = arith.constant 6 : i32
    %add3A_0 = arith.addi %arg0, %add3A : i32
    %c0_i32 = arith.constant 0 : i32
    %c0_i32_1 = arith.constant 0 : i32
    return %add3A_0, %c0_i32 : i32, i32
  }
}

module attributes {stable_mosaic.version = 14 : i64} {
  func.func @_proj_body(%arg0: i32, %arg1: memref<2048x1024xf32, #tpu.memory_space<vmem>>, %arg2: memref<128x1024xf32, #tpu.memory_space<vmem>>, %arg3: memref<1x128xf32, #tpu.memory_space<vmem>>, %arg4: memref<32768x128xf32, #tpu.memory_space<any>>, %arg5: memref<2048x128xf32, #tpu.memory_space<vmem>>) attributes {dimension_semantics = [#tpu.dimension_semantics<arbitrary>], iteration_bounds = array<i64: 6>, scalar_prefetch = 0 : i64, scratch_operands = 0 : i64, tpu.core_type = #tpu.core_type<tc>, window_params = [{transform_indices = @transform_0, window_bounds = array<i64: 2048, 1024>}, {pipeline_mode = #tpu.pipeline_mode<synchronous>, transform_indices = @transform_1, window_bounds = array<i64: 128, 1024>}, {pipeline_mode = #tpu.pipeline_mode<synchronous>, transform_indices = @transform_2, window_bounds = array<i64: 1, 128>}, {}, {transform_indices = @transform_4, window_bounds = array<i64: 2048, 128>}]} {
    %get3A = arith.constant 0 : index
    %get3A_0 = arith.constant 0 : index
    %get3A_1 = vector.load %arg1[%get3A, %get3A_0] : memref<2048x1024xf32, #tpu.memory_space<vmem>>, vector<2048x1024xf32>
    %convert_element_type3A = arith.truncf %get3A_1 : vector<2048x1024xf32> to vector<2048x1024xbf16>
    %get3A_2 = arith.constant 0 : index
    %get3A_3 = arith.constant 0 : index
    %get3A_4 = vector.load %arg2[%get3A_2, %get3A_3] : memref<128x1024xf32, #tpu.memory_space<vmem>>, vector<128x1024xf32>
    %convert_element_type3A_5 = arith.truncf %get3A_4 : vector<128x1024xf32> to vector<128x1024xbf16>
    %dot_general3A = arith.constant dense<0.000000e+00> : vector<2048x128xf32>
    %dot_general3A_6 = tpu.matmul %convert_element_type3A, %convert_element_type3A_5, %dot_general3A {dimension_numbers = #tpu.dot_dimension_numbers<[1], [1], [0], [0], [0, 0, 1, 0], [], []>, transpose_lhs_hint = false} : vector<2048x1024xbf16>, vector<128x1024xbf16>, vector<2048x128xf32> -> vector<2048x128xf32>
    %get3A_7 = arith.constant 0 : index
    %get3A_8 = arith.constant 0 : index
    %get3A_9 = vector.load %arg3[%get3A_7, %get3A_8] : memref<1x128xf32, #tpu.memory_space<vmem>>, vector<1x128xf32>
    %add3A = vector.broadcast %get3A_9 : vector<1x128xf32> to vector<2048x128xf32>
    %add3A_10 = arith.addf %dot_general3A_6, %add3A : vector<2048x128xf32>
    %swap3A = arith.constant 0 : index
    %swap3A_11 = arith.constant 0 : index
    %swap3A_12 = vector.load %arg5[%swap3A, %swap3A_11] : memref<2048x128xf32, #tpu.memory_space<vmem>>, vector<2048x128xf32>
    tpu.vector_store %arg5[%swap3A, %swap3A_11], %add3A_10 {strides = array<i32>} : memref<2048x128xf32, #tpu.memory_space<vmem>>, vector<2048x128xf32>,
    return
  }
  func.func @transform_0(%arg0: i32) -> (i32, i32) {
    %c0_i32 = arith.constant 0 : i32
    %c0_i32_0 = arith.constant 0 : i32
    return %arg0, %c0_i32 : i32, i32
  }
  func.func @transform_1(%arg0: i32) -> (i32, i32) {
    %c0_i32 = arith.constant 0 : i32
    %c0_i32_0 = arith.constant 0 : i32
    %c0_i32_1 = arith.constant 0 : i32
    return %c0_i32, %c0_i32_0 : i32, i32
  }
  func.func @transform_2(%arg0: i32) -> (i32, i32) {
    %c0_i32 = arith.constant 0 : i32
    %c0_i32_0 = arith.constant 0 : i32
    %c0_i32_1 = arith.constant 0 : i32
    return %c0_i32, %c0_i32_0 : i32, i32
  }
  func.func @transform_4(%arg0: i32) -> (i32, i32) {
    %add3A = arith.constant 0 : i32
    %add3A_0 = arith.addi %arg0, %add3A : i32
    %c0_i32 = arith.constant 0 : i32
    %c0_i32_1 = arith.constant 0 : i32
    return %add3A_0, %c0_i32 : i32, i32
  }
}

</mosaic_0001>

<sc_bundles>
// kernel: kernel.6.cloned.1.call-start
scs
__scs_entry_jumppad:
0x0: {  	(pc) =	sbr.rel $0x88, $3  }
0x1: {  	(tag) =	ssettag $0x0;
	lr =	simm.s32 $0x1  }
0x2: {  	[smem:$0x3F9B] =	sst lr;
	_ =	strace $0xD0000000  }
0x3: {  	_ = 	snop  }
0x4: {  	_ = 	snop  }
0x5: {  	_ = 	snop  }
0x6: {  	_ = 	snop  }
0x7: {  	_ = 	snop  }
__scs_overlays_trampoline_lowered:
0x8: {  	[smem:$0x3FAA] =	sst s0  }
0x9: {  	[smem:$0x3FAB] =	sst s1  }
0xa: {  	[smem:$0x3FAC] =	sst s2  }
0xb: {  	[smem:$0x3FAD] =	sst s3  }
0xc: {  	[smem:$0x3FAE] =	sst s4  }
0xd: {  	[smem:$0x3FAF] =	sst s5  }
0xe: {  	[smem:$0x3FB0] =	sst s6  }
0xf: {  	[smem:$0x3FB1] =	sst s7  }
0x10: {  	[smem:$0x3FB2] =	sst s8  }
0x11: {  	[smem:$0x3FB3] =	sst s9;
	s0 =	simm.s32 @!p0 $0x0  }
0x12: {  	s1 =	sld [smem:$0x3F99];
	s0 =	simm.s32 @p0 $0x1  }
0x13: {  	[smem:$0x3FB4] =	sst s0;
	s0 =	simm.s32 @!p1 $0x0  }
0x14: {  	s2 =	sld [smem:$0x3F98];
	s0 =	simm.s32 @p1 $0x1  }
0x15: {  	[smem:$0x3FB5] =	sst s0;
	s0 =	simm.s32 @!p2 $0x0  }
0x16: {  	s3 =	sld [smem:$0x3FDB];
	s0 =	simm.s32 @p2 $0x1  }
0x17: {  	s4 =	simm.s32 $0x1BF5;
	[smem:$0x3FB7] =	sst s0  }
0x18: {  	s0 =	sld [smem:$0x3F9A];
	_ =	swait.ge [sflag:s4], $0x0  }
0x19: {  	s7 =	sld [smem:$0x3F9B]  }
0x1a: {  	s8 =	sadd.s32 $0xFFFFE003, lr  }
0x1b: {  	s9 =	sadd.s32 $0xFFFFFEF7, lr;
	s5 =	simm.s32 $0xFFFFFFFF;
	p2 =	slt.u32 s8, $0xFFFFF086  }
0x1c: {  	p1 =	slt.u32 s9, $0xF7A;
	s5 =	simm.s32 @!p2 $0x0  }
0x1d: {  	s5 =	simm.s32 @p1 $0x1;
	p0 =	seq.s32 s7, s2  }
0x1e: {  	s7 =	smul.u32 @!p0 $0xF7A, s2;
	p2 =	seq.s32 @!p0 s5, $0x0  }
0x1f: {  	s9 =	smul.u32 $0xF7A, s1;
	s8 =	simm.s32 @!p0 $0x1BF5;
	p2 =	por !p2, p0  }
0x20: {  	[sflag:s8] =	ssyncset.s32 @!p0 $0xFFFFF086;
	s6 =	sadd.s32 @!p0 s3, s7;
	s7 =	simm.s32 @!p0 $0x108  }
0x21: {  	s3 =	sadd.s32 s3, s9;
	s6 =	sadd.s32 @!p0 $0x88, s6;
	s7 =	simm.s32 @p2 $0x1082  }
0x22: {  	[simem:s7], [sflag:s8] =	dma.local @!p0 [hbm:s6], $0xF7A  }
0x23: {  	s9 =	sor.u32 $0xD0000000, s2;
	s6 =	simm.s32 $0x108;
	_ =	swait.ge @!p0 [sflag:s8], $0x0  }
0x24: {  	s3 =	sadd.s32 $0x88, s3;
	s6 =	simm.s32 @!p1 $0x1082;
	[sflag:s4] =	ssyncset.s32 $0xFFFFF086  }
0x25: {  	[simem:s6], [sflag:s4] =	dma.local [hbm:s3], $0xF7A  }
0x26: {  	[smem:$0x3F9B] =	sst s1;
	(tag) =	ssettag s2;
	_ =	strace s9  }
0x27: {  	s1 =	sld [smem:$0x3FAB]  }
0x28: {  	s2 =	sld [smem:$0x3FAC]  }
0x29: {  	s4 =	sld [smem:$0x3FAE]  }
0x2a: {  	p0 =	seq.s32 s5, $0x0;
	s5 =	sld [smem:$0x3FAF]  }
0x2b: {  	s6 =	sld [smem:$0x3FB0]  }
0x2c: {  	s7 =	sld [smem:$0x3FB1]  }
0x2d: {  	s3 =	simm.s32 $0x108;
	s8 =	sld [smem:$0x3FB2]  }
0x2e: {  	s3 =	simm.s32 @!p0 $0x1082;
	s9 =	sld [smem:$0x3FB3]  }
0x2f: {  	lr =	sadd.s32 s0, s3;
	s0 =	sld [smem:$0x3FAA]  }
0x30: {  	s3 =	sld [smem:$0x3FAD]  }
0x31: {  	[smem:$0x3FB6] =	sst s10  }
0x32: {  	s10 =	sld [smem:$0x3FB4];
	_ =	sdelay $0x3  }
0x33: {  	p0 =	seq.s32 s10, $0x1;
	s10 =	sld [smem:$0x3FB6];
	_ =	sdelay $0x3  }
0x34: {  	[smem:$0x3FB6] =	sst s10  }
0x35: {  	s10 =	sld [smem:$0x3FB5];
	_ =	sdelay $0x3  }
0x36: {  	p1 =	seq.s32 s10, $0x1;
	s10 =	sld [smem:$0x3FB6];
	_ =	sdelay $0x3  }
0x37: {  	[smem:$0x3FB6] =	sst s10  }
0x38: {  	s10 =	sld [smem:$0x3FB7]  }
0x39: {  	_ = 	snop;
	(pc) =	sbr.ind lr, $3  }
0x3a: {  	_ = 	snop  }
0x3b: {  	_ = 	snop  }
0x3c: {  	p2 =	seq.s32 s10, $0x1;
	s10 =	sld [smem:$0x3FB6]  }
0x3d: {  	_ =	shalt  }
0x3e: {  	_ =	shalt  }
0x3f: {  	_ =	shalt  }
0x40: {  	_ =	shalt  }
0x41: {  	_ =	shalt  }
0x42: {  	_ =	shalt  }
0x43: {  	_ =	shalt  }
0x44: {  	_ =	shalt  }
0x45: {  	_ =	shalt  }
0x46: {  	_ =	shalt  }
0x47: {  	_ =	shalt  }
0x48: {  	_ =	shalt  }
0x49: {  	_ =	shalt  }
0x4a: {  	_ =	shalt  }
0x4b: {  	_ =	shalt  }
0x4c: {  	_ =	shalt  }
0x4d: {  	_ =	shalt  }
0x4e: {  	_ =	shalt  }
0x4f: {  	_ =	shalt  }
0x50: {  	_ =	shalt  }
0x51: {  	_ =	shalt  }
0x52: {  	_ =	shalt  }
0x53: {  	_ =	shalt  }
0x54: {  	_ =	shalt  }
0x55: {  	_ =	shalt  }
0x56: {  	_ =	shalt  }
0x57: {  	_ =	shalt  }
0x58: {  	_ =	shalt  }
0x59: {  	_ =	shalt  }
0x5a: {  	_ =	shalt  }
0x5b: {  	_ =	shalt  }
0x5c: {  	_ =	shalt  }
0x5d: {  	_ =	shalt  }
0x5e: {  	_ =	shalt  }
0x5f: {  	_ =	shalt  }
0x60: {  	_ =	shalt  }
0x61: {  	_ =	shalt  }
0x62: {  	_ =	shalt  }
0x63: {  	_ =	shalt  }
0x64: {  	_ =	shalt  }
0x65: {  	_ =	shalt  }
0x66: {  	_ =	shalt  }
0x67: {  	_ =	shalt  }
0x68: {  	_ =	shalt  }
0x69: {  	_ =	shalt  }
0x6a: {  	_ =	shalt  }
0x6b: {  	_ =	shalt  }
0x6c: {  	_ =	shalt  }
0x6d: {  	_ =	shalt  }
0x6e: {  	_ =	shalt  }
0x6f: {  	_ =	shalt  }
0x70: {  	_ =	shalt  }
0x71: {  	_ =	shalt  }
0x72: {  	_ =	shalt  }
0x73: {  	_ =	shalt  }
0x74: {  	_ =	shalt  }
0x75: {  	_ =	shalt  }
0x76: {  	_ =	shalt  }
0x77: {  	_ =	shalt  }
0x78: {  	_ =	shalt  }
0x79: {  	_ =	shalt  }
0x7a: {  	_ =	shalt  }
0x7b: {  	_ =	shalt  }
0x7c: {  	_ =	shalt  }
0x7d: {  	_ =	shalt  }
0x7e: {  	_ =	shalt  }
0x7f: {  	_ =	shalt  }
0x80: {  	_ =	shalt  }
0x81: {  	_ =	shalt  }
0x82: {  	_ =	shalt  }
0x83: {  	_ =	shalt  }
0x84: {  	_ =	shalt  }
0x85: {  	_ =	shalt  }
0x86: {  	_ =	shalt  }
0x87: {  	_ =	shalt  }
.Lfunc_end0:
.L_simem_size_0:
called_computation_lowered:
.L_overlay_start_0:
0x88: {  	s2 =	sld [smem:$0x3FD9]  }
0x89: {  	s3 =	sld [smem:$0x3FFE];
	_ =	sdelay $0x1  }
0x8a: {  	s1 =	srdreg.scid  }
0x8b: {  	s0 =	sand.u32 $0x1, s1  }
0x8c: {  	s17 =	sshll.u32 s0, $0xA;
	s2 =	sadd.s32 s3, s2  }
0x8d: {  	s2 =	sadd.s32 s2, s17  }
0x8e: {  	[smem:$0x3FC2] =	sst s2  }
0x8f: {  	_ = 	snop  }
0x90: {  	s2 =	sld [smem:$0x3FC9]  }
0x91: {  	s18 =	sld [smem:$0x3FC8]  }
0x92: {  	s4 =	sld [smem:$0x3FC7]  }
0x93: {  	s5 =	sld [smem:$0x3FC4]  }
0x94: {  	s6 =	sld [smem:$0x3FD0];
	(tm) =	ssettm $0x1  }
0x95: {  	s7 =	sld [smem:$0x3FFB];
	_ =	sdelay $0x3  }
0x96: {  	_ =	strace s7  }
0x97: {  	s7 =	sld [smem:$0x3FFC];
	_ =	sdelay $0x3  }
0x98: {  	_ =	strace s7  }
0x99: {  	s7 =	sld [smem:$0x3FFD];
	_ =	sdelay $0x3  }
0x9a: {  	_ =	strace s7  }
0x9b: {  	_ =	strace $0x8FFFFFFF  }
0x9c: {  	s19 =	sld [smem:$0x3FDB];
	_ =	sdelay $0x1  }
0x9d: {  	s8 =	simm.s32 $_scs_section_size  }
0x9e: {  	s9 =	simm.s32 $_size__tile_overlayer_lowered;
	s10 =	simm.s32 $_tile_overlayer_lowered  }
0x9f: {  	s22 =	simm.s32 $0x1BFF;
	s21 =	sshll.u32 s10, $0x1;
	s7 =	sadd.s32 s8, s19  }
0xa0: {  	s11 =	simm.s32 $0x0;
	s20 =	sshll.u32 s9, $0x1;
	s9 =	sadd.s32 s21, s7  }
0xa1: {  	[timem:s11], [sflag:s22] =	dma.local [hbm:s9], s20  }
0xa2: {  	_ =	swait.ge [sflag:s22], s20  }
0xa3: {  	s8 =	ssub.s32 $0x0, s20;
	[sflag:s22] =	ssyncset.done $0x0  }
0xa4: {  	[sflag:s22] =	ssyncadd.s32 s8;
	_ =	sdelay $0x1  }
0xa5: {  	s23 =	simm.s32 $0x1B8B  }
0xa6: {  	_ =	swait.ge [sflag:s23], $0x1  }
0xa7: {  	[sflag:s23] =	ssyncset.done $0x0  }
0xa8: {  	s25 =	simm.s32 $0x1B8E;
	s24 =	sld [smem:$0x3FFE];
	[sflag:s23] =	ssyncadd.s32 $0xFFFFFFFF  }
0xa9: {  	s26 =	simm.s32 $execute0_lowered;
	[smem:$0x3FD2] =	sst s25  }
0xaa: {  	s9 =	sshll.u32 s26, $0x1;
	_ =	strace $0x80000046;
	[dreg:$0x1] =	wrdreg $0xFFFFFFFF  }
0xab: {  	s28 =	simm.s32 $_size_execute0_lowered;
	s7 =	sadd.s32 s7, s9;
	[dreg:$0x0] =	wrdreg $0x0  }
0xac: {  	s9 =	sshll.u32 s28, $0x1;
	[dreg:$0x2] =	wrdreg s7  }
0xad: {  	[dreg:$0x3] =	wrdreg s9  }
0xae: {  	[dreg:$0x4] =	wrdreg $0xC0  }
0xaf: {  	_ =	task [dreg:s11], $0x5FFFF  }
0xb0: {  	[dreg:$0x1] =	wrdreg $0xFFFFFFFF  }
0xb1: {  	[dreg:$0x0] =	wrdreg $0x60  }
0xb2: {  	[dreg:$0x2] =	wrdreg s4  }
0xb3: {  	[dreg:$0x3] =	wrdreg s5  }
0xb4: {  	[dreg:$0x4] =	wrdreg s2  }
0xb5: {  	[dreg:$0x5] =	wrdreg s18  }
0xb6: {  	[dreg:$0x6] =	wrdreg s24  }
0xb7: {  	[dreg:$0x7] =	wrdreg s6  }
0xb8: {  	[dreg:$0x8] =	wrdreg $0x9  }
0xb9: {  	_ =	task.clear_ibuf [dreg:s11], $0x9FFFF;
	_ =	strace $0x90000046  }
0xba: {  	s29 =	simm.s32 $0x9;
	_ =	strace $0x80000048  }
0xbb: {  	_ =	swait.ge [sflag:s29], $0x1  }
0xbc: {  	[sflag:s29] =	ssyncadd.s32 $0xFFFFFFFF  }
0xbd: {  	_ =	strace $0x90000048  }
0xbe: {  	_ =	sfence  }
0xbf: {  	s30 =	sld [smem:$0x0];
	_ =	sdelay $0x2  }
0xc0: {  	s31 =	sshll.u32 s1, $0xD;
	s1 =	sshrl.u32 s1, $0x2  }
0xc1: {  	s3 =	sand.u32 $0x4000, s31;
	s1 =	sadd.s32 s1, s30  }
0xc2: {  	s0 =	sor.u32 s3, s0;
	s1 =	sshll.u32 s1, $0x11  }
0xc3: {  	s0 =	sor.u32 s1, s0  }
0xc4: {  	s0 =	sadd.s32 $0x8F2B, s0  }
0xc5: {  	[sflag:s0] =	ssyncadd.remote.s32 $0x1  }
0xc6: {  	_ =	sfence.sel $0xFFFF  }
0xc7: {  	[dreg:$0x0] =	wrdreg $0xFFFFFFFF;
	(pc) =	sbr.abs _section_cstart, $3  }
0xc8: {  	[dreg:$0x1] =	wrdreg $0xFFFFFFFF  }
0xc9: {  	_ =	task.clear_ibuf [dreg:s11], $0x2FFFF;
	_ =	strace $0x9FFFFFFF  }
0xca: {  	(tm) =	ssettm $0x7FFFFFFF  }
0xcb: {  	_ =	shalt  }
tec
execute0_lowered:
.L_overlay_start_1:
0x0: {  	(tag) =	ssettag $0x1  }
0x1: {  	s0 =	rddreg [dreg:$0x0]  }
0x2: {  	s1 =	rddreg [dreg:$0x2]  }
0x3: {  	s2 =	rddreg [dreg:$0x3]  }
0x4: {  	s3 =	rddreg [dreg:$0x4];
	s4 =	srdreg.scid  }
0x5: {  	s13 =	stileid.u32;
	s5 =	rddreg [dreg:$0x5];
	s29 =	simm.s32 $0x8180  }
0x6: {  	s28 =	simm.s32 $0x9980;
	s30 =	simm.s32 $0xB180;
	s15 =	smul.u32 $0xC0000, s13  }
0x7: {  	s31 =	simm.s32 $0xB980;
	s6 =	sand.u32 $0x1, s4;
	s22 =	smul.u32 $0x18000, s13  }
0x8: {  	s7 =	sshll.u32 s13, $0x1;
	s4 =	simm.s32 $0x0;
	s17 =	smul.u32 $0x60000, s6  }
0x9: {  	s10 =	sor.u32 s6, s7;
	s8 =	ssub.s32 $0x2, s6;
	s6 =	smul.u32 $0xC000, s6  }
0xa: {  	s3 =	sadd.s32 $0x1200, s3;
	[smem:$0x7FF] =	sst s4;
	s7 =	smul.u32 $0x180, s10  }
0xb: {  	s13 =	simm.s32 $0x7;
	_ =	strace $0x80000047;
	s11 =	smul.u32 $0x60000, s10  }
0xc: {  	s9 =	sshrl.u32 s8, $0x1;
	s23 =	sshll.u32 s10, $0x6;
	s7 =	sshrl.u32 s7, $0x3  }
0xd: {  	s24 =	sshrl.u32 s11, $0x3;
	s11 =	sshll.u32 s10, $0xD;
	s1 =	sadd.s32 s1, s7  }
0xe: {  	[dreg:$0x9] =	wrdreg s1;
	s1 =	sadd.s32 s2, s23;
	s2 =	sadd.s32 s11, s5  }
0xf: {  	s12 =	ssub.s32 s8, s9;
	[dreg:$0xa] =	wrdreg s1;
	s16 =	sadd.s32 $0x40000, s2  }
0x10: {  	s8 =	sadd.s32 $0x200, s0;
	s18 =	sadd.s32 $0x40400, s2;
	[dreg:$0xf] =	wrdreg s16  }
0x11: {  	s9 =	sadd.s32 $0x300, s0;
	s19 =	sadd.s32 $0x40800, s2;
	[dreg:$0x10] =	wrdreg s18  }
0x12: {  	s10 =	simm.s32 $0x2;
	s20 =	sadd.s32 $0x40C00, s2;
	[dreg:$0x11] =	wrdreg s19  }
0x13: {  	s7 =	sadd.s32 $0x100, s0;
	s21 =	sadd.s32 $0x41000, s2;
	[dreg:$0x12] =	wrdreg s20  }
0x14: {  	s11 =	simm.s32 $0x6;
	s23 =	sadd.s32 $0x41400, s2;
	[dreg:$0x13] =	wrdreg s21  }
0x15: {  	s1 =	sadd.s32 s3, s24;
	s24 =	sadd.s32 $0x41800, s2;
	[dreg:$0x14] =	wrdreg s23  }
0x16: {  	s5 =	simm.s32 $0x0;
	s2 =	sadd.s32 $0x41C00, s2;
	[dreg:$0x15] =	wrdreg s24  }
0x17: {  	s25 =	sadd.s32 $0xA000, s1;
	s26 =	sadd.s32 $0xA800, s1;
	[dreg:$0x16] =	wrdreg s2  }
0x18: {  	s14 =	sadd.s32 $0xB000, s1;
	s1 =	sadd.s32 $0xB800, s1;
	[dreg:$0xb] =	wrdreg s25  }
0x19: {  	s20 =	simm.s32 $0x980;
	s16 =	simm.s32 $0x4180;
	[dreg:$0xc] =	wrdreg s26  }
0x1a: {  	s23 =	simm.s32 $0xA980;
	s19 =	simm.s32 $0xC180;
	[dreg:$0xd] =	wrdreg s14  }
0x1b: {  	s2 =	simm.s32 $0x1;
	[dreg:$0xe] =	wrdreg s1;
	s1 =	sadd.s32 s17, s15  }
0x1c: {  	s26 =	smax.u32 s12, $0x1;
	s12 =	simm.s32 $0x3;
	s14 =	simm.s32 $0x4  }
0x1d: {  	s15 =	simm.s32 $0x8;
	s1 =	sshrl.u32 s1, $0x3;
	[dreg:$0x17] =	wrdreg s26  }
0x1e: {  	v2 =	vlaneseq.u32;
	s26 =	simm.s32 $0x180;
	s1 =	sadd.s32 s1, s3;
	s3 =	sadd.s32 s22, s3  }
0x1f: {  	vm0 =	vmmov $0xffff;
	v1 =	vshrl.u32 v2, $0x3;
	[dreg:$0x7] =	wrdreg s1;
	s25 =	sadd.s32 s6, s3;
	s1 =	simm.s32 $0x10180  }
0x20: {  	v0 =	vand.u32 $0x7, v2;
	v2 =	vor.u32 $0x8, v2;
	v1 =	vmul.u32 $0x8, v1;
	s3 =	simm.s32 $0xC980;
	s6 =	simm.s32 $0x5;
	[dreg:$0x8] =	wrdreg s25  }
.LBB2_1:
0x21: {  	[dreg:$0x18] =	wrdreg s5  }
0x22: {  	s17 =	rddreg [dreg:$0x9];
	s18 =	simm.s32 $0x9  }
0x23: {  	[tilespmem:s4], [sflag:$0x9] =	stream.linear.gather [hbm4b:s17+s4], $0x180, $0x38;
	[tilespmem:$0x18380] =	vst v63  }
0x24: {  	_ =	swait.ge [sflag:s18], $0x180  }
0x25: {  	[sflag:s18] =	ssyncset.done $0x0  }
0x26: {  	s5 =	rddreg [dreg:$0xa];
	[sflag:s18] =	ssyncadd.s32 $0xFFFFFE80  }
0x27: {  	[tilespmem:s1], [sflag:$0x9] =	stream.linear.gather [hbm4b:s5+s4], $0x200, $0x38;
	[tilespmem:$0x18380] =	vst v63  }
0x28: {  	_ =	swait.ge [sflag:s18], $0x200  }
0x29: {  	[sflag:s18] =	ssyncset.done $0x0  }
0x2a: {  	[sflag:s18] =	ssyncadd.s32 $0xFFFFFE00  }
0x2b: {  	v3 =	vld [tilespmem:$0x0];
	_ =	sdelay $0x4  }
0x2c: {  	v4 =	vshll.u32 v3, $0x3  }
0x2d: {  	v3 =	vand.u32 $0x7, v3;
	v4 =	vand.u32 $0xFFFFFFC0, v4  }
0x2e: {  	v3 =	vor.u32 v3, v4  }
0x2f: {  	v4 =	vperm.xlane v3, v0;
	_ =	sdelay $0x1  }
0x30: {  	v4 =	vadd.s32 v1, v4;
	_ =	sdelay $0x4  }
0x31: {  	[tilespmem:s26], [sflag:$0x1] =	stream.indirect_vreg.gather [hbm4b:s0+s4], $0x80, v4, vm0, $0xb8;
	[tilespmem:$0x18380] =	vst v63  }
0x32: {  	v3 =	vperm.xlane v3, v2  }
0x33: {  	[tilespmem:s20], [sflag:$0x1] =	stream.indirect_vreg.gather [hbm4b:s7+s4], $0x80, v4, vm0, $0xb8;
	[tilespmem:$0x18380] =	vst v63  }
0x34: {  	s18 =	simm.s32 $0x1180;
	v3 =	vadd.s32 v1, v3  }
0x35: {  	[tilespmem:s18], [sflag:$0x1] =	stream.indirect_vreg.gather [hbm4b:s8+s4], $0x80, v4, vm0, $0xb8;
	[tilespmem:$0x18380] =	vst v63  }
0x36: {  	s21 =	simm.s32 $0x1980  }
0x37: {  	[tilespmem:s21], [sflag:$0x1] =	stream.indirect_vreg.gather [hbm4b:s9+s4], $0x80, v4, vm0, $0xb8;
	[tilespmem:$0x18380] =	vst v63  }
0x38: {  	s22 =	simm.s32 $0x2180  }
0x39: {  	[tilespmem:s22], [sflag:$0x1] =	stream.indirect_vreg.gather [hbm4b:s0+s4], $0x80, v3, vm0, $0xb8;
	[tilespmem:$0x18380] =	vst v63  }
0x3a: {  	s24 =	simm.s32 $0x2980  }
0x3b: {  	[tilespmem:s24], [sflag:$0x1] =	stream.indirect_vreg.gather [hbm4b:s7+s4], $0x80, v3, vm0, $0xb8;
	[tilespmem:$0x18380] =	vst v63  }
0x3c: {  	s25 =	simm.s32 $0x3180  }
0x3d: {  	[tilespmem:s25], [sflag:$0x1] =	stream.indirect_vreg.gather [hbm4b:s8+s4], $0x80, v3, vm0, $0xb8;
	[tilespmem:$0x18380] =	vst v63  }
0x3e: {  	s26 =	simm.s32 $0x3980  }
0x3f: {  	[tilespmem:s26], [sflag:$0x1] =	stream.indirect_vreg.gather [hbm4b:s9+s4], $0x80, v3, vm0, $0xb8;
	[tilespmem:$0x18380] =	vst v63  }
0x40: {  	v3 =	vld [tilespmem:$0x10];
	_ =	sdelay $0x4  }
0x41: {  	v61 =	vshll.u32 v3, $0x3  }
0x42: {  	v3 =	vand.u32 $0x7, v3;
	v4 =	vand.u32 $0xFFFFFFC0, v61  }
0x43: {  	v3 =	vor.u32 v3, v4  }
0x44: {  	v4 =	vperm.xlane v3, v0;
	_ =	sdelay $0x1  }
0x45: {  	v4 =	vadd.s32 v1, v4;
	_ =	sdelay $0x4  }
0x46: {  	[tilespmem:s16], [sflag:$0x2] =	stream.indirect_vreg.gather [hbm4b:s0+s4], $0x80, v4, vm0, $0xb8;
	[tilespmem:$0x18380] =	vst v63  }
0x47: {  	s5 =	simm.s32 $0x4980;
	v3 =	vperm.xlane v3, v2  }
0x48: {  	[tilespmem:s5], [sflag:$0x2] =	stream.indirect_vreg.gather [hbm4b:s7+s4], $0x80, v4, vm0, $0xb8;
	[tilespmem:$0x18380] =	vst v63  }
0x49: {  	v3 =	vadd.s32 v1, v3;
	s16 =	simm.s32 $0x5180  }
0x4a: {  	[tilespmem:s16], [sflag:$0x2] =	stream.indirect_vreg.gather [hbm4b:s8+s4], $0x80, v4, vm0, $0xb8;
	[tilespmem:$0x18380] =	vst v63  }
0x4b: {  	s17 =	simm.s32 $0x5980  }
0x4c: {  	[tilespmem:s17], [sflag:$0x2] =	stream.indirect_vreg.gather [hbm4b:s9+s4], $0x80, v4, vm0, $0xb8;
	[tilespmem:$0x18380] =	vst v63  }
0x4d: {  	s18 =	simm.s32 $0x6180  }
0x4e: {  	[tilespmem:s18], [sflag:$0x2] =	stream.indirect_vreg.gather [hbm4b:s0+s4], $0x80, v3, vm0, $0xb8;
	[tilespmem:$0x18380] =	vst v63  }
0x4f: {  	s21 =	simm.s32 $0x6980  }
0x50: {  	[tilespmem:s21], [sflag:$0x2] =	stream.indirect_vreg.gather [hbm4b:s7+s4], $0x80, v3, vm0, $0xb8;
	[tilespmem:$0x18380] =	vst v63  }
0x51: {  	s22 =	simm.s32 $0x7180  }
0x52: {  	[tilespmem:s22], [sflag:$0x2] =	stream.indirect_vreg.gather [hbm4b:s8+s4], $0x80, v3, vm0, $0xb8;
	[tilespmem:$0x18380] =	vst v63  }
0x53: {  	s24 =	simm.s32 $0x7980  }
0x54: {  	[tilespmem:s24], [sflag:$0x2] =	stream.indirect_vreg.gather [hbm4b:s9+s4], $0x80, v3, vm0, $0xb8;
	[tilespmem:$0x18380] =	vst v63  }
0x55: {  	v3 =	vld [tilespmem:$0x20];
	_ =	sdelay $0x4  }
0x56: {  	v62 =	vshll.u32 v3, $0x3  }
0x57: {  	v3 =	vand.u32 $0x7, v3;
	v4 =	vand.u32 $0xFFFFFFC0, v62  }
0x58: {  	v3 =	vor.u32 v3, v4  }
0x59: {  	v4 =	vperm.xlane v3, v0;
	_ =	sdelay $0x1  }
0x5a: {  	v4 =	vadd.s32 v1, v4;
	_ =	sdelay $0x4  }
0x5b: {  	[tilespmem:s29], [sflag:$0x3] =	stream.indirect_vreg.gather [hbm4b:s0+s4], $0x80, v4, vm0, $0xb8;
	[tilespmem:$0x18380] =	vst v63  }
0x5c: {  	s25 =	simm.s32 $0x8980;
	v3 =	vperm.xlane v3, v2  }
0x5d: {  	[tilespmem:s25], [sflag:$0x3] =	stream.indirect_vreg.gather [hbm4b:s7+s4], $0x80, v4, vm0, $0xb8;
	[tilespmem:$0x18380] =	vst v63  }
0x5e: {  	s26 =	simm.s32 $0x9180;
	v3 =	vadd.s32 v1, v3  }
0x5f: {  	[tilespmem:s26], [sflag:$0x3] =	stream.indirect_vreg.gather [hbm4b:s8+s4], $0x80, v4, vm0, $0xb8;
	[tilespmem:$0x18380] =	vst v63  }
0x60: {  	_ = 	snop  }
0x61: {  	[tilespmem:s28], [sflag:$0x3] =	stream.indirect_vreg.gather [hbm4b:s9+s4], $0x80, v4, vm0, $0xb8;
	[tilespmem:$0x18380] =	vst v63  }
0x62: {  	s29 =	simm.s32 $0xA180  }
0x63: {  	[tilespmem:s29], [sflag:$0x3] =	stream.indirect_vreg.gather [hbm4b:s0+s4], $0x80, v3, vm0, $0xb8;
	[tilespmem:$0x18380] =	vst v63  }
0x64: {  	_ = 	snop  }
0x65: {  	[tilespmem:s23], [sflag:$0x3] =	stream.indirect_vreg.gather [hbm4b:s7+s4], $0x80, v3, vm0, $0xb8;
	[tilespmem:$0x18380] =	vst v63  }
0x66: {  	_ = 	snop  }
0x67: {  	[tilespmem:s30], [sflag:$0x3] =	stream.indirect_vreg.gather [hbm4b:s8+s4], $0x80, v3, vm0, $0xb8;
	[tilespmem:$0x18380] =	vst v63  }
0x68: {  	_ = 	snop  }
0x69: {  	[tilespmem:s31], [sflag:$0x3] =	stream.indirect_vreg.gather [hbm4b:s9+s4], $0x80, v3, vm0, $0xb8;
	[tilespmem:$0x18380] =	vst v63  }
0x6a: {  	v3 =	vld [tilespmem:$0x30];
	_ =	sdelay $0x4  }
0x6b: {  	v63 =	vshll.u32 v3, $0x3  }
0x6c: {  	v3 =	vand.u32 $0x7, v3;
	v4 =	vand.u32 $0xFFFFFFC0, v63  }
0x6d: {  	v3 =	vor.u32 v3, v4  }
0x6e: {  	v4 =	vperm.xlane v3, v0;
	_ =	sdelay $0x1  }
0x6f: {  	v4 =	vadd.s32 v1, v4;
	_ =	sdelay $0x4  }
0x70: {  	[tilespmem:s19], [sflag:$0x4] =	stream.indirect_vreg.gather [hbm4b:s0+s4], $0x80, v4, vm0, $0xb8;
	[tilespmem:$0x18380] =	vst v63  }
0x71: {  	v3 =	vperm.xlane v3, v2  }
0x72: {  	[tilespmem:s3], [sflag:$0x4] =	stream.indirect_vreg.gather [hbm4b:s7+s4], $0x80, v4, vm0, $0xb8;
	[tilespmem:$0x18380] =	vst v63  }
0x73: {  	s21 =	simm.s32 $0xD180;
	v3 =	vadd.s32 v1, v3  }
0x74: {  	[tilespmem:s21], [sflag:$0x4] =	stream.indirect_vreg.gather [hbm4b:s8+s4], $0x80, v4, vm0, $0xb8;
	[tilespmem:$0x18380] =	vst v63  }
0x75: {  	s24 =	simm.s32 $0xD980  }
0x76: {  	[tilespmem:s24], [sflag:$0x4] =	stream.indirect_vreg.gather [hbm4b:s9+s4], $0x80, v4, vm0, $0xb8;
	[tilespmem:$0x18380] =	vst v63  }
0x77: {  	s22 =	simm.s32 $0xE180  }
0x78: {  	[tilespmem:s22], [sflag:$0x4] =	stream.indirect_vreg.gather [hbm4b:s0+s4], $0x80, v3, vm0, $0xb8;
	[tilespmem:$0x18380] =	vst v63  }
0x79: {  	s1 =	simm.s32 $0xE980  }
0x7a: {  	[tilespmem:s1], [sflag:$0x4] =	stream.indirect_vreg.gather [hbm4b:s7+s4], $0x80, v3, vm0, $0xb8;
	[tilespmem:$0x18380] =	vst v63  }
0x7b: {  	s25 =	simm.s32 $0xF180  }
0x7c: {  	[tilespmem:s25], [sflag:$0x4] =	stream.indirect_vreg.gather [hbm4b:s8+s4], $0x80, v3, vm0, $0xb8;
	[tilespmem:$0x18380] =	vst v63  }
0x7d: {  	s5 =	simm.s32 $0xF980;
	s17 =	simm.s32 $0x70;
	s18 =	simm.s32 $0x0  }
0x7e: {  	[tilespmem:s5], [sflag:$0x4] =	stream.indirect_vreg.gather [hbm4b:s9+s4], $0x80, v3, vm0, $0xb8;
	[tilespmem:$0x18380] =	vst v63  }
.LBB2_2:
0x7f: {  	_ =	swait.ge [sflag:s2], $0x4000  }
0x80: {  	s19 =	rddreg [dreg:$0x7];
	[sflag:s2] =	ssyncset.done $0x0  }
0x81: {  	s28 =	simm.s32 $0x180;
	[sflag:s2] =	ssyncadd.s32 $0xFFFFC000;
	s19 =	sadd.s32 s18, s19  }
0x82: {  	[hbm4b:s19+s4] =	stream.linear.scatter [tilespmem:s28], [sflag:$0x5], $0x4000, $0x38;
	[tilespmem:$0x18380] =	vst v63  }
0x83: {  	_ =	swait.ge [sflag:s6], $0x4000  }
0x84: {  	[sflag:s6] =	ssyncset.done $0x0  }
0x85: {  	[sflag:s6] =	ssyncadd.s32 $0xFFFFC000  }
0x86: {  	v3 =	vld [tilespmem:s17+$0xFFFFFFD0];
	_ =	sdelay $0x4  }
0x87: {  	v4 =	vshll.u32 v3, $0x3  }
0x88: {  	v3 =	vand.u32 $0x7, v3;
	v4 =	vand.u32 $0xFFFFFFC0, v4  }
0x89: {  	v3 =	vor.u32 v3, v4  }
0x8a: {  	v4 =	vperm.xlane v3, v0;
	_ =	sdelay $0x1  }
0x8b: {  	v4 =	vadd.s32 v1, v4;
	_ =	sdelay $0x4  }
0x8c: {  	[tilespmem:s28], [sflag:$0x1] =	stream.indirect_vreg.gather [hbm4b:s0+s4], $0x80, v4, vm0, $0xb8;
	[tilespmem:$0x18380] =	vst v63  }
0x8d: {  	v3 =	vperm.xlane v3, v2  }
0x8e: {  	[tilespmem:s20], [sflag:$0x1] =	stream.indirect_vreg.gather [hbm4b:s7+s4], $0x80, v4, vm0, $0xb8;
	[tilespmem:$0x18380] =	vst v63  }
0x8f: {  	s3 =	simm.s32 $0x1180;
	v3 =	vadd.s32 v1, v3  }
0x90: {  	[tilespmem:s3], [sflag:$0x1] =	stream.indirect_vreg.gather [hbm4b:s8+s4], $0x80, v4, vm0, $0xb8;
	[tilespmem:$0x18380] =	vst v63  }
0x91: {  	s23 =	simm.s32 $0x1980  }
0x92: {  	[tilespmem:s23], [sflag:$0x1] =	stream.indirect_vreg.gather [hbm4b:s9+s4], $0x80, v4, vm0, $0xb8;
	[tilespmem:$0x18380] =	vst v63  }
0x93: {  	s16 =	simm.s32 $0x2180  }
0x94: {  	[tilespmem:s16], [sflag:$0x1] =	stream.indirect_vreg.gather [hbm4b:s0+s4], $0x80, v3, vm0, $0xb8;
	[tilespmem:$0x18380] =	vst v63  }
0x95: {  	s19 =	simm.s32 $0x2980  }
0x96: {  	[tilespmem:s19], [sflag:$0x1] =	stream.indirect_vreg.gather [hbm4b:s7+s4], $0x80, v3, vm0, $0xb8;
	[tilespmem:$0x18380] =	vst v63  }
0x97: {  	s20 =	simm.s32 $0x3180  }
0x98: {  	[tilespmem:s20], [sflag:$0x1] =	stream.indirect_vreg.gather [hbm4b:s8+s4], $0x80, v3, vm0, $0xb8;
	[tilespmem:$0x18380] =	vst v63  }
0x99: {  	s23 =	simm.s32 $0x3980  }
0x9a: {  	[tilespmem:s23], [sflag:$0x1] =	stream.indirect_vreg.gather [hbm4b:s9+s4], $0x80, v3, vm0, $0xb8;
	[tilespmem:$0x18380] =	vst v63  }
0x9b: {  	_ =	swait.ge [sflag:s10], $0x4000  }
0x9c: {  	s3 =	rddreg [dreg:$0x8]  }
0x9d: {  	[sflag:s10] =	ssyncset.done $0x0;
	s19 =	sadd.s32 s18, s3  }
0x9e: {  	s29 =	simm.s32 $0x4180;
	[sflag:s10] =	ssyncadd.s32 $0xFFFFC000;
	s16 =	sadd.s32 $0x800, s19  }
0x9f: {  	[hbm4b:s16+s4] =	stream.linear.scatter [tilespmem:s29], [sflag:$0x6], $0x4000, $0x38;
	[tilespmem:$0x18380] =	vst v63  }
0xa0: {  	_ =	swait.ge [sflag:s11], $0x4000  }
0xa1: {  	[sflag:s11] =	ssyncset.done $0x0  }
0xa2: {  	[sflag:s11] =	ssyncadd.s32 $0xFFFFC000  }
0xa3: {  	v3 =	vld [tilespmem:s17+$0xFFFFFFE0];
	_ =	sdelay $0x4  }
0xa4: {  	v61 =	vshll.u32 v3, $0x3  }
0xa5: {  	v3 =	vand.u32 $0x7, v3;
	v4 =	vand.u32 $0xFFFFFFC0, v61  }
0xa6: {  	v3 =	vor.u32 v3, v4  }
0xa7: {  	v4 =	vperm.xlane v3, v0;
	_ =	sdelay $0x1  }
0xa8: {  	v4 =	vadd.s32 v1, v4;
	_ =	sdelay $0x4  }
0xa9: {  	[tilespmem:s29], [sflag:$0x2] =	stream.indirect_vreg.gather [hbm4b:s0+s4], $0x80, v4, vm0, $0xb8;
	[tilespmem:$0x18380] =	vst v63  }
0xaa: {  	s23 =	simm.s32 $0x4980;
	v3 =	vperm.xlane v3, v2  }
0xab: {  	[tilespmem:s23], [sflag:$0x2] =	stream.indirect_vreg.gather [hbm4b:s7+s4], $0x80, v4, vm0, $0xb8;
	[tilespmem:$0x18380] =	vst v63  }
0xac: {  	s20 =	simm.s32 $0x5180;
	v3 =	vadd.s32 v1, v3  }
0xad: {  	[tilespmem:s20], [sflag:$0x2] =	stream.indirect_vreg.gather [hbm4b:s8+s4], $0x80, v4, vm0, $0xb8;
	[tilespmem:$0x18380] =	vst v63  }
0xae: {  	s23 =	simm.s32 $0x5980  }
0xaf: {  	[tilespmem:s23], [sflag:$0x2] =	stream.indirect_vreg.gather [hbm4b:s9+s4], $0x80, v4, vm0, $0xb8;
	[tilespmem:$0x18380] =	vst v63  }
0xb0: {  	s20 =	simm.s32 $0x6180  }
0xb1: {  	[tilespmem:s20], [sflag:$0x2] =	stream.indirect_vreg.gather [hbm4b:s0+s4], $0x80, v3, vm0, $0xb8;
	[tilespmem:$0x18380] =	vst v63  }
0xb2: {  	s23 =	simm.s32 $0x6980  }
0xb3: {  	[tilespmem:s23], [sflag:$0x2] =	stream.indirect_vreg.gather [hbm4b:s7+s4], $0x80, v3, vm0, $0xb8;
	[tilespmem:$0x18380] =	vst v63  }
0xb4: {  	s20 =	simm.s32 $0x7180  }
0xb5: {  	[tilespmem:s20], [sflag:$0x2] =	stream.indirect_vreg.gather [hbm4b:s8+s4], $0x80, v3, vm0, $0xb8;
	[tilespmem:$0x18380] =	vst v63  }
0xb6: {  	s23 =	simm.s32 $0x7980  }
0xb7: {  	[tilespmem:s23], [sflag:$0x2] =	stream.indirect_vreg.gather [hbm4b:s9+s4], $0x80, v3, vm0, $0xb8;
	[tilespmem:$0x18380] =	vst v63  }
0xb8: {  	_ =	swait.ge [sflag:s12], $0x4000  }
0xb9: {  	[sflag:s12] =	ssyncset.done $0x0  }
0xba: {  	s3 =	sadd.s32 $0x1000, s19;
	s23 =	simm.s32 $0x8180;
	[sflag:s12] =	ssyncadd.s32 $0xFFFFC000  }
0xbb: {  	[hbm4b:s3+s4] =	stream.linear.scatter [tilespmem:s23], [sflag:$0x7], $0x4000, $0x38;
	[tilespmem:$0x18380] =	vst v63  }
0xbc: {  	_ =	swait.ge [sflag:s13], $0x4000  }
0xbd: {  	[sflag:s13] =	ssyncset.done $0x0  }
0xbe: {  	[sflag:s13] =	ssyncadd.s32 $0xFFFFC000  }
0xbf: {  	v3 =	vld [tilespmem:s17+$0xFFFFFFF0];
	_ =	sdelay $0x4  }
0xc0: {  	v62 =	vshll.u32 v3, $0x3  }
0xc1: {  	v3 =	vand.u32 $0x7, v3;
	v4 =	vand.u32 $0xFFFFFFC0, v62  }
0xc2: {  	v3 =	vor.u32 v3, v4  }
0xc3: {  	v4 =	vperm.xlane v3, v0;
	_ =	sdelay $0x1  }
0xc4: {  	v4 =	vadd.s32 v1, v4;
	_ =	sdelay $0x4  }
0xc5: {  	[tilespmem:s23], [sflag:$0x3] =	stream.indirect_vreg.gather [hbm4b:s0+s4], $0x80, v4, vm0, $0xb8;
	[tilespmem:$0x18380] =	vst v63  }
0xc6: {  	s3 =	simm.s32 $0x8980;
	v3 =	vperm.xlane v3, v2  }
0xc7: {  	[tilespmem:s3], [sflag:$0x3] =	stream.indirect_vreg.gather [hbm4b:s7+s4], $0x80, v4, vm0, $0xb8;
	[tilespmem:$0x18380] =	vst v63  }
0xc8: {  	v3 =	vadd.s32 v1, v3;
	s3 =	simm.s32 $0x9180  }
0xc9: {  	[tilespmem:s3], [sflag:$0x3] =	stream.indirect_vreg.gather [hbm4b:s8+s4], $0x80, v4, vm0, $0xb8;
	[tilespmem:$0x18380] =	vst v63  }
0xca: {  	s28 =	simm.s32 $0x9980  }
0xcb: {  	[tilespmem:s28], [sflag:$0x3] =	stream.indirect_vreg.gather [hbm4b:s9+s4], $0x80, v4, vm0, $0xb8;
	[tilespmem:$0x18380] =	vst v63  }
0xcc: {  	s3 =	simm.s32 $0xA180  }
0xcd: {  	[tilespmem:s3], [sflag:$0x3] =	stream.indirect_vreg.gather [hbm4b:s0+s4], $0x80, v3, vm0, $0xb8;
	[tilespmem:$0x18380] =	vst v63  }
0xce: {  	s23 =	simm.s32 $0xA980  }
0xcf: {  	[tilespmem:s23], [sflag:$0x3] =	stream.indirect_vreg.gather [hbm4b:s7+s4], $0x80, v3, vm0, $0xb8;
	[tilespmem:$0x18380] =	vst v63  }
0xd0: {  	_ = 	snop  }
0xd1: {  	[tilespmem:s30], [sflag:$0x3] =	stream.indirect_vreg.gather [hbm4b:s8+s4], $0x80, v3, vm0, $0xb8;
	[tilespmem:$0x18380] =	vst v63  }
0xd2: {  	_ = 	snop  }
0xd3: {  	[tilespmem:s31], [sflag:$0x3] =	stream.indirect_vreg.gather [hbm4b:s9+s4], $0x80, v3, vm0, $0xb8;
	[tilespmem:$0x18380] =	vst v63  }
0xd4: {  	_ =	swait.ge [sflag:s14], $0x4000  }
0xd5: {  	[sflag:s14] =	ssyncset.done $0x0  }
0xd6: {  	s19 =	sadd.s32 $0x1800, s19;
	s3 =	simm.s32 $0xC180;
	[sflag:s14] =	ssyncadd.s32 $0xFFFFC000  }
0xd7: {  	[hbm4b:s19+s4] =	stream.linear.scatter [tilespmem:s3], [sflag:$0x8], $0x4000, $0x38;
	[tilespmem:$0x18380] =	vst v63  }
0xd8: {  	_ =	swait.ge [sflag:s15], $0x4000  }
0xd9: {  	[sflag:s15] =	ssyncset.done $0x0  }
0xda: {  	[sflag:s15] =	ssyncadd.s32 $0xFFFFC000  }
0xdb: {  	v3 =	vld [tilespmem:s17+$0x0];
	_ =	sdelay $0x4  }
0xdc: {  	v63 =	vshll.u32 v3, $0x3  }
0xdd: {  	v3 =	vand.u32 $0x7, v3;
	v4 =	vand.u32 $0xFFFFFFC0, v63  }
0xde: {  	v3 =	vor.u32 v3, v4  }
0xdf: {  	v4 =	vperm.xlane v3, v0;
	_ =	sdelay $0x1  }
0xe0: {  	v4 =	vadd.s32 v1, v4;
	_ =	sdelay $0x4  }
0xe1: {  	[tilespmem:s3], [sflag:$0x4] =	stream.indirect_vreg.gather [hbm4b:s0+s4], $0x80, v4, vm0, $0xb8;
	[tilespmem:$0x18380] =	vst v63  }
0xe2: {  	v3 =	vperm.xlane v3, v2;
	s3 =	simm.s32 $0xC980  }
0xe3: {  	[tilespmem:s3], [sflag:$0x4] =	stream.indirect_vreg.gather [hbm4b:s7+s4], $0x80, v4, vm0, $0xb8;
	[tilespmem:$0x18380] =	vst v63  }
0xe4: {  	v3 =	vadd.s32 v1, v3  }
0xe5: {  	[tilespmem:s21], [sflag:$0x4] =	stream.indirect_vreg.gather [hbm4b:s8+s4], $0x80, v4, vm0, $0xb8;
	[tilespmem:$0x18380] =	vst v63  }
0xe6: {  	_ = 	snop  }
0xe7: {  	[tilespmem:s24], [sflag:$0x4] =	stream.indirect_vreg.gather [hbm4b:s9+s4], $0x80, v4, vm0, $0xb8;
	[tilespmem:$0x18380] =	vst v63  }
0xe8: {  	_ = 	snop  }
0xe9: {  	[tilespmem:s22], [sflag:$0x4] =	stream.indirect_vreg.gather [hbm4b:s0+s4], $0x80, v3, vm0, $0xb8;
	[tilespmem:$0x18380] =	vst v63  }
0xea: {  	p0 =	sne.s32 s18, $0x8000  }
0xeb: {  	[tilespmem:s1], [sflag:$0x4] =	stream.indirect_vreg.gather [hbm4b:s7+s4], $0x80, v3, vm0, $0xb8;
	[tilespmem:$0x18380] =	vst v63  }
.Ltmp0:
0xec: {  	s26 =	simm.s32 $0x180;
	(pc) =	sbr.rel @p0 .LBB2_2-.Ltmp0, $4  }
0xed: {  	s18 =	sadd.s32 $0x2000, s18;
	s16 =	simm.s32 $0x4180;
	s29 =	simm.s32 $0x8180  }
0xee: {  	[tilespmem:s25], [sflag:$0x4] =	stream.indirect_vreg.gather [hbm4b:s8+s4], $0x80, v3, vm0, $0xb8;
	[tilespmem:$0x18380] =	vst v63  }
0xef: {  	s20 =	simm.s32 $0x980;
	s19 =	simm.s32 $0xC180;
	s17 =	sadd.s32 $0x40, s17  }
0xf0: {  	[tilespmem:s5], [sflag:$0x4] =	stream.indirect_vreg.gather [hbm4b:s9+s4], $0x80, v3, vm0, $0xb8;
	[tilespmem:$0x18380] =	vst v63  }
0xf1: {  	_ =	swait.ge [sflag:s2], $0x4000  }
0xf2: {  	[sflag:s2] =	ssyncset.done $0x0  }
0xf3: {  	s17 =	rddreg [dreg:$0xb];
	[sflag:s2] =	ssyncadd.s32 $0xFFFFC000  }
0xf4: {  	[hbm4b:s17+s4] =	stream.linear.scatter [tilespmem:s26], [sflag:$0x5], $0x4000, $0x38;
	[tilespmem:$0x18380] =	vst v63  }
0xf5: {  	_ =	swait.ge [sflag:s6], $0x4000  }
0xf6: {  	[sflag:s6] =	ssyncset.done $0x0  }
0xf7: {  	[sflag:s6] =	ssyncadd.s32 $0xFFFFC000  }
0xf8: {  	_ =	swait.ge [sflag:s10], $0x4000  }
0xf9: {  	[sflag:s10] =	ssyncset.done $0x0  }
0xfa: {  	s21 =	rddreg [dreg:$0xc];
	[sflag:s10] =	ssyncadd.s32 $0xFFFFC000  }
0xfb: {  	[hbm4b:s21+s4] =	stream.linear.scatter [tilespmem:s16], [sflag:$0x6], $0x4000, $0x38;
	[tilespmem:$0x18380] =	vst v63  }
0xfc: {  	_ =	swait.ge [sflag:s11], $0x4000  }
0xfd: {  	[sflag:s11] =	ssyncset.done $0x0  }
0xfe: {  	[sflag:s11] =	ssyncadd.s32 $0xFFFFC000  }
0xff: {  	_ =	swait.ge [sflag:s12], $0x4000  }
0x100: {  	[sflag:s12] =	ssyncset.done $0x0  }
0x101: {  	s22 =	rddreg [dreg:$0xd];
	[sflag:s12] =	ssyncadd.s32 $0xFFFFC000  }
0x102: {  	[hbm4b:s22+s4] =	stream.linear.scatter [tilespmem:s29], [sflag:$0x7], $0x4000, $0x38;
	[tilespmem:$0x18380] =	vst v63  }
0x103: {  	_ =	swait.ge [sflag:s13], $0x4000  }
0x104: {  	[sflag:s13] =	ssyncset.done $0x0  }
0x105: {  	[sflag:s13] =	ssyncadd.s32 $0xFFFFC000  }
0x106: {  	_ =	swait.ge [sflag:s14], $0x4000  }
0x107: {  	[sflag:s14] =	ssyncset.done $0x0  }
0x108: {  	s24 =	rddreg [dreg:$0xe];
	[sflag:s14] =	ssyncadd.s32 $0xFFFFC000  }
0x109: {  	[hbm4b:s24+s4] =	stream.linear.scatter [tilespmem:s19], [sflag:$0x8], $0x4000, $0x38;
	[tilespmem:$0x18380] =	vst v63  }
0x10a: {  	_ =	swait.ge [sflag:s15], $0x4000  }
0x10b: {  	[sflag:s15] =	ssyncset.done $0x0  }
0x10c: {  	s1 =	simm.s32 $0x10180;
	[sflag:s15] =	ssyncadd.s32 $0xFFFFC000  }
0x10d: {  	s5 =	simm.s32 $0x40;
	s21 =	simm.s32 $0x10380;
	s17 =	rddreg [dreg:$0x1]  }
0x10e: {  	[tilespmem:s21], [sflag:$0x1] =	stream.indirect.gather [hbm4b:s17+s5], $0x80, s1, s5, $0xb8;
	[tilespmem:$0x18380] =	vst v63  }
0x10f: {  	s18 =	simm.s32 $0x101C0;
	s22 =	simm.s32 $0x12380  }
0x110: {  	[tilespmem:s22], [sflag:$0x2] =	stream.indirect.gather [hbm4b:s17+s5], $0x80, s18, s5, $0xb8;
	[tilespmem:$0x18380] =	vst v63  }
0x111: {  	s25 =	simm.s32 $0x10200;
	s24 =	simm.s32 $0x14380  }
0x112: {  	[tilespmem:s24], [sflag:$0x3] =	stream.indirect.gather [hbm4b:s17+s5], $0x80, s25, s5, $0xb8;
	[tilespmem:$0x18380] =	vst v63  }
0x113: {  	s18 =	simm.s32 $0x10240;
	s25 =	simm.s32 $0x16380  }
0x114: {  	[tilespmem:s25], [sflag:$0x4] =	stream.indirect.gather [hbm4b:s17+s5], $0x80, s18, s5, $0xb8;
	[tilespmem:$0x18380] =	vst v63  }
0x115: {  	_ =	swait.ge [sflag:s2], $0x2000  }
0x116: {  	[sflag:s2] =	ssyncset.done $0x0  }
0x117: {  	s18 =	rddreg [dreg:$0xf];
	[sflag:s2] =	ssyncadd.s32 $0xFFFFE000  }
0x118: {  	[hbm4b:s18+s4] =	stream.linear.scatter [tilespmem:s21], [sflag:$0x5], $0x2000, $0x38;
	[tilespmem:$0x18380] =	vst v63  }
0x119: {  	_ =	swait.ge [sflag:s6], $0x2000  }
0x11a: {  	[sflag:s6] =	ssyncset.done $0x0  }
0x11b: {  	s18 =	simm.s32 $0x10280;
	[sflag:s6] =	ssyncadd.s32 $0xFFFFE000  }
0x11c: {  	[tilespmem:s21], [sflag:$0x1] =	stream.indirect.gather [hbm4b:s17+s5], $0x80, s18, s5, $0xb8;
	[tilespmem:$0x18380] =	vst v63  }
0x11d: {  	_ =	swait.ge [sflag:s10], $0x2000  }
0x11e: {  	[sflag:s10] =	ssyncset.done $0x0  }
0x11f: {  	s18 =	rddreg [dreg:$0x10];
	[sflag:s10] =	ssyncadd.s32 $0xFFFFE000  }
0x120: {  	[hbm4b:s18+s4] =	stream.linear.scatter [tilespmem:s22], [sflag:$0x6], $0x2000, $0x38;
	[tilespmem:$0x18380] =	vst v63  }
0x121: {  	_ =	swait.ge [sflag:s11], $0x2000  }
0x122: {  	[sflag:s11] =	ssyncset.done $0x0  }
0x123: {  	s18 =	simm.s32 $0x102C0;
	[sflag:s11] =	ssyncadd.s32 $0xFFFFE000  }
0x124: {  	[tilespmem:s22], [sflag:$0x2] =	stream.indirect.gather [hbm4b:s17+s5], $0x80, s18, s5, $0xb8;
	[tilespmem:$0x18380] =	vst v63  }
0x125: {  	_ =	swait.ge [sflag:s12], $0x2000  }
0x126: {  	[sflag:s12] =	ssyncset.done $0x0  }
0x127: {  	s18 =	rddreg [dreg:$0x11];
	[sflag:s12] =	ssyncadd.s32 $0xFFFFE000  }
0x128: {  	[hbm4b:s18+s4] =	stream.linear.scatter [tilespmem:s24], [sflag:$0x7], $0x2000, $0x38;
	[tilespmem:$0x18380] =	vst v63  }
0x129: {  	_ =	swait.ge [sflag:s13], $0x2000  }
0x12a: {  	[sflag:s13] =	ssyncset.done $0x0  }
0x12b: {  	s18 =	simm.s32 $0x10300;
	[sflag:s13] =	ssyncadd.s32 $0xFFFFE000  }
0x12c: {  	[tilespmem:s24], [sflag:$0x3] =	stream.indirect.gather [hbm4b:s17+s5], $0x80, s18, s5, $0xb8;
	[tilespmem:$0x18380] =	vst v63  }
0x12d: {  	_ =	swait.ge [sflag:s14], $0x2000  }
0x12e: {  	[sflag:s14] =	ssyncset.done $0x0  }
0x12f: {  	s18 =	rddreg [dreg:$0x12];
	[sflag:s14] =	ssyncadd.s32 $0xFFFFE000  }
0x130: {  	[hbm4b:s18+s4] =	stream.linear.scatter [tilespmem:s25], [sflag:$0x8], $0x2000, $0x38;
	[tilespmem:$0x18380] =	vst v63  }
0x131: {  	_ =	swait.ge [sflag:s15], $0x2000  }
0x132: {  	[sflag:s15] =	ssyncset.done $0x0  }
0x133: {  	s18 =	simm.s32 $0x10340;
	[sflag:s15] =	ssyncadd.s32 $0xFFFFE000  }
0x134: {  	[tilespmem:s25], [sflag:$0x4] =	stream.indirect.gather [hbm4b:s17+s5], $0x80, s18, s5, $0xb8;
	[tilespmem:$0x18380] =	vst v63  }
0x135: {  	_ =	swait.ge [sflag:s2], $0x2000  }
0x136: {  	[sflag:s2] =	ssyncset.done $0x0  }
0x137: {  	s5 =	rddreg [dreg:$0x13];
	[sflag:s2] =	ssyncadd.s32 $0xFFFFE000  }
0x138: {  	[hbm4b:s5+s4] =	stream.linear.scatter [tilespmem:s21], [sflag:$0x5], $0x2000, $0x38;
	[tilespmem:$0x18380] =	vst v63  }
0x139: {  	_ =	swait.ge [sflag:s6], $0x2000  }
0x13a: {  	[sflag:s6] =	ssyncset.done $0x0  }
0x13b: {  	[sflag:s6] =	ssyncadd.s32 $0xFFFFE000  }
0x13c: {  	_ =	swait.ge [sflag:s10], $0x2000  }
0x13d: {  	[sflag:s10] =	ssyncset.done $0x0  }
0x13e: {  	s18 =	rddreg [dreg:$0x14];
	[sflag:s10] =	ssyncadd.s32 $0xFFFFE000  }
0x13f: {  	[hbm4b:s18+s4] =	stream.linear.scatter [tilespmem:s22], [sflag:$0x6], $0x2000, $0x38;
	[tilespmem:$0x18380] =	vst v63  }
0x140: {  	_ =	swait.ge [sflag:s11], $0x2000  }
0x141: {  	[sflag:s11] =	ssyncset.done $0x0  }
0x142: {  	[sflag:s11] =	ssyncadd.s32 $0xFFFFE000  }
0x143: {  	_ =	swait.ge [sflag:s12], $0x2000  }
0x144: {  	[sflag:s12] =	ssyncset.done $0x0  }
0x145: {  	s21 =	rddreg [dreg:$0x15];
	[sflag:s12] =	ssyncadd.s32 $0xFFFFE000  }
0x146: {  	[hbm4b:s21+s4] =	stream.linear.scatter [tilespmem:s24], [sflag:$0x7], $0x2000, $0x38;
	[tilespmem:$0x18380] =	vst v63  }
0x147: {  	_ =	swait.ge [sflag:s13], $0x2000  }
0x148: {  	[sflag:s13] =	ssyncset.done $0x0  }
0x149: {  	[sflag:s13] =	ssyncadd.s32 $0xFFFFE000  }
0x14a: {  	_ =	swait.ge [sflag:s14], $0x2000  }
0x14b: {  	[sflag:s14] =	ssyncset.done $0x0  }
0x14c: {  	s22 =	rddreg [dreg:$0x16];
	[sflag:s14] =	ssyncadd.s32 $0xFFFFE000  }
0x14d: {  	[hbm4b:s22+s4] =	stream.linear.scatter [tilespmem:s25], [sflag:$0x8], $0x2000, $0x38;
	[tilespmem:$0x18380] =	vst v63  }
0x14e: {  	_ =	swait.ge [sflag:s15], $0x2000  }
0x14f: {  	s24 =	rddreg [dreg:$0x18]  }
0x150: {  	s25 =	rddreg [dreg:$0x17];
	s5 =	sadd.s32 $0x1, s24  }
0x151: {  	p0 =	sne.s32 s5, s25  }
.Ltmp1:
0x152: {  	_ = 	snop;
	(pc) =	sbr.rel @p0 .LBB2_1-.Ltmp1, $3  }
0x153: {  	_ =	sdelay $0x1  }
0x154: {  	[sflag:s15] =	ssyncset.done $0x0  }
0x155: {  	[sflag:s15] =	ssyncadd.s32 $0xFFFFE000  }
0x156: {  	_ =	sfence.sel $0x180000  }
0x157: {  	[bflag:$0x0] =	sbarrier.arrive $0xFFFF  }
0x158: {  	_ =	strace $0x90000047  }
0x159: {  	s0 =	stileid.u32;
	[bflag:$0x2] =	sbarrier.arrive $0xFFFF  }
0x15a: {  	p0 =	sne.s32 s0, $0x0;
	s0 =	rddreg [dreg:$0x6]  }
0x15b: {  	s0 =	sadd.s32 @!p0 $0x100000, s0  }
0x15c: {  	[sflag:s0] =	ssyncadd.tile.s32 @!p0 $0x1;
	_ =	shalt  }
.Lfunc_end2:
_tile_overlayer_lowered:
.L_overlay_start_2:
0x15d: {  	(tag) =	ssettag $0x2  }
0x15e: {  	s0 =	rddreg [dreg:$0x0];
	s2 =	stileid.u32  }
0x15f: {  	s1 =	rddreg [dreg:$0x1];
	p0 =	sne.s32 s2, $0x0  }
0x160: {  	s3 =	rddreg [dreg:$0x2];
	[bflag:$0x3] =	sbarrier.arrive $0xFFFF;
	s2 =	simm.s32 @!p0 $0x1C09  }
0x161: {  	[timem:s3], [sflag:s2] =	dma.local @!p0 [hbm:s0], s1  }
0x162: {  	s0 =	simm.s32 @!p0 $0x9  }
0x163: {  	_ =	swait.ge @!p0 [sflag:s0], s1  }
0x164: {  	s1 =	ssub.s32 @!p0 $0x0, s1;
	[sflag:s0] =	ssyncset.done @!p0 $0x0  }
0x165: {  	[sflag:s0] =	ssyncadd.s32 @!p0 s1  }
0x166: {  	[bflag:$0x3] =	sbarrier.arrive $0xFFFF  }
0x167: {  	_ =	shalt  }

// kernel: kernel.9.cloned.1.call-start
scs
__scs_entry_jumppad:
0x0: {  	(pc) =	sbr.rel $0x88, $3  }
0x1: {  	(tag) =	ssettag $0x0;
	lr =	simm.s32 $0x1  }
0x2: {  	[smem:$0x3F9B] =	sst lr;
	_ =	strace $0xD0000000  }
0x3: {  	_ = 	snop  }
0x4: {  	_ = 	snop  }
0x5: {  	_ = 	snop  }
0x6: {  	_ = 	snop  }
0x7: {  	_ = 	snop  }
__scs_overlays_trampoline_lowered:
0x8: {  	[smem:$0x3FAA] =	sst s0  }
0x9: {  	[smem:$0x3FAB] =	sst s1  }
0xa: {  	[smem:$0x3FAC] =	sst s2  }
0xb: {  	[smem:$0x3FAD] =	sst s3  }
0xc: {  	[smem:$0x3FAE] =	sst s4  }
0xd: {  	[smem:$0x3FAF] =	sst s5  }
0xe: {  	[smem:$0x3FB0] =	sst s6  }
0xf: {  	[smem:$0x3FB1] =	sst s7  }
0x10: {  	[smem:$0x3FB2] =	sst s8  }
0x11: {  	[smem:$0x3FB3] =	sst s9;
	s0 =	simm.s32 @!p0 $0x0  }
0x12: {  	s1 =	sld [smem:$0x3F99];
	s0 =	simm.s32 @p0 $0x1  }
0x13: {  	[smem:$0x3FB4] =	sst s0;
	s0 =	simm.s32 @!p1 $0x0  }
0x14: {  	s2 =	sld [smem:$0x3F98];
	s0 =	simm.s32 @p1 $0x1  }
0x15: {  	[smem:$0x3FB5] =	sst s0;
	s0 =	simm.s32 @!p2 $0x0  }
0x16: {  	s3 =	sld [smem:$0x3FDB];
	s0 =	simm.s32 @p2 $0x1  }
0x17: {  	s4 =	simm.s32 $0x1BF5;
	[smem:$0x3FB7] =	sst s0  }
0x18: {  	s0 =	sld [smem:$0x3F9A];
	_ =	swait.ge [sflag:s4], $0x0  }
0x19: {  	s7 =	sld [smem:$0x3F9B]  }
0x1a: {  	s8 =	sadd.s32 $0xFFFFE003, lr  }
0x1b: {  	s9 =	sadd.s32 $0xFFFFFEF7, lr;
	s5 =	simm.s32 $0xFFFFFFFF;
	p2 =	slt.u32 s8, $0xFFFFF086  }
0x1c: {  	p1 =	slt.u32 s9, $0xF7A;
	s5 =	simm.s32 @!p2 $0x0  }
0x1d: {  	s5 =	simm.s32 @p1 $0x1;
	p0 =	seq.s32 s7, s2  }
0x1e: {  	s7 =	smul.u32 @!p0 $0xF7A, s2;
	p2 =	seq.s32 @!p0 s5, $0x0  }
0x1f: {  	s9 =	smul.u32 $0xF7A, s1;
	s8 =	simm.s32 @!p0 $0x1BF5;
	p2 =	por !p2, p0  }
0x20: {  	[sflag:s8] =	ssyncset.s32 @!p0 $0xFFFFF086;
	s6 =	sadd.s32 @!p0 s3, s7;
	s7 =	simm.s32 @!p0 $0x108  }
0x21: {  	s3 =	sadd.s32 s3, s9;
	s6 =	sadd.s32 @!p0 $0x88, s6;
	s7 =	simm.s32 @p2 $0x1082  }
0x22: {  	[simem:s7], [sflag:s8] =	dma.local @!p0 [hbm:s6], $0xF7A  }
0x23: {  	s9 =	sor.u32 $0xD0000000, s2;
	s6 =	simm.s32 $0x108;
	_ =	swait.ge @!p0 [sflag:s8], $0x0  }
0x24: {  	s3 =	sadd.s32 $0x88, s3;
	s6 =	simm.s32 @!p1 $0x1082;
	[sflag:s4] =	ssyncset.s32 $0xFFFFF086  }
0x25: {  	[simem:s6], [sflag:s4] =	dma.local [hbm:s3], $0xF7A  }
0x26: {  	[smem:$0x3F9B] =	sst s1;
	(tag) =	ssettag s2;
	_ =	strace s9  }
0x27: {  	s1 =	sld [smem:$0x3FAB]  }
0x28: {  	s2 =	sld [smem:$0x3FAC]  }
0x29: {  	s4 =	sld [smem:$0x3FAE]  }
0x2a: {  	p0 =	seq.s32 s5, $0x0;
	s5 =	sld [smem:$0x3FAF]  }
0x2b: {  	s6 =	sld [smem:$0x3FB0]  }
0x2c: {  	s7 =	sld [smem:$0x3FB1]  }
0x2d: {  	s3 =	simm.s32 $0x108;
	s8 =	sld [smem:$0x3FB2]  }
0x2e: {  	s3 =	simm.s32 @!p0 $0x1082;
	s9 =	sld [smem:$0x3FB3]  }
0x2f: {  	lr =	sadd.s32 s0, s3;
	s0 =	sld [smem:$0x3FAA]  }
0x30: {  	s3 =	sld [smem:$0x3FAD]  }
0x31: {  	[smem:$0x3FB6] =	sst s10  }
0x32: {  	s10 =	sld [smem:$0x3FB4];
	_ =	sdelay $0x3  }
0x33: {  	p0 =	seq.s32 s10, $0x1;
	s10 =	sld [smem:$0x3FB6];
	_ =	sdelay $0x3  }
0x34: {  	[smem:$0x3FB6] =	sst s10  }
0x35: {  	s10 =	sld [smem:$0x3FB5];
	_ =	sdelay $0x3  }
0x36: {  	p1 =	seq.s32 s10, $0x1;
	s10 =	sld [smem:$0x3FB6];
	_ =	sdelay $0x3  }
0x37: {  	[smem:$0x3FB6] =	sst s10  }
0x38: {  	s10 =	sld [smem:$0x3FB7]  }
0x39: {  	_ = 	snop;
	(pc) =	sbr.ind lr, $3  }
0x3a: {  	_ = 	snop  }
0x3b: {  	_ = 	snop  }
0x3c: {  	p2 =	seq.s32 s10, $0x1;
	s10 =	sld [smem:$0x3FB6]  }
0x3d: {  	_ =	shalt  }
0x3e: {  	_ =	shalt  }
0x3f: {  	_ =	shalt  }
0x40: {  	_ =	shalt  }
0x41: {  	_ =	shalt  }
0x42: {  	_ =	shalt  }
0x43: {  	_ =	shalt  }
0x44: {  	_ =	shalt  }
0x45: {  	_ =	shalt  }
0x46: {  	_ =	shalt  }
0x47: {  	_ =	shalt  }
0x48: {  	_ =	shalt  }
0x49: {  	_ =	shalt  }
0x4a: {  	_ =	shalt  }
0x4b: {  	_ =	shalt  }
0x4c: {  	_ =	shalt  }
0x4d: {  	_ =	shalt  }
0x4e: {  	_ =	shalt  }
0x4f: {  	_ =	shalt  }
0x50: {  	_ =	shalt  }
0x51: {  	_ =	shalt  }
0x52: {  	_ =	shalt  }
0x53: {  	_ =	shalt  }
0x54: {  	_ =	shalt  }
0x55: {  	_ =	shalt  }
0x56: {  	_ =	shalt  }
0x57: {  	_ =	shalt  }
0x58: {  	_ =	shalt  }
0x59: {  	_ =	shalt  }
0x5a: {  	_ =	shalt  }
0x5b: {  	_ =	shalt  }
0x5c: {  	_ =	shalt  }
0x5d: {  	_ =	shalt  }
0x5e: {  	_ =	shalt  }
0x5f: {  	_ =	shalt  }
0x60: {  	_ =	shalt  }
0x61: {  	_ =	shalt  }
0x62: {  	_ =	shalt  }
0x63: {  	_ =	shalt  }
0x64: {  	_ =	shalt  }
0x65: {  	_ =	shalt  }
0x66: {  	_ =	shalt  }
0x67: {  	_ =	shalt  }
0x68: {  	_ =	shalt  }
0x69: {  	_ =	shalt  }
0x6a: {  	_ =	shalt  }
0x6b: {  	_ =	shalt  }
0x6c: {  	_ =	shalt  }
0x6d: {  	_ =	shalt  }
0x6e: {  	_ =	shalt  }
0x6f: {  	_ =	shalt  }
0x70: {  	_ =	shalt  }
0x71: {  	_ =	shalt  }
0x72: {  	_ =	shalt  }
0x73: {  	_ =	shalt  }
0x74: {  	_ =	shalt  }
0x75: {  	_ =	shalt  }
0x76: {  	_ =	shalt  }
0x77: {  	_ =	shalt  }
0x78: {  	_ =	shalt  }
0x79: {  	_ =	shalt  }
0x7a: {  	_ =	shalt  }
0x7b: {  	_ =	shalt  }
0x7c: {  	_ =	shalt  }
0x7d: {  	_ =	shalt  }
0x7e: {  	_ =	shalt  }
0x7f: {  	_ =	shalt  }
0x80: {  	_ =	shalt  }
0x81: {  	_ =	shalt  }
0x82: {  	_ =	shalt  }
0x83: {  	_ =	shalt  }
0x84: {  	_ =	shalt  }
0x85: {  	_ =	shalt  }
0x86: {  	_ =	shalt  }
0x87: {  	_ =	shalt  }
.Lfunc_end0:
.L_simem_size_0:
called_computation.1_lowered:
.L_overlay_start_0:
0x88: {  	s2 =	sld [smem:$0x3FD9]  }
0x89: {  	s3 =	sld [smem:$0x3FFE];
	_ =	sdelay $0x1  }
0x8a: {  	s1 =	srdreg.scid  }
0x8b: {  	s0 =	sand.u32 $0x1, s1  }
0x8c: {  	s17 =	sshll.u32 s0, $0xA;
	s2 =	sadd.s32 s3, s2  }
0x8d: {  	s2 =	sadd.s32 s2, s17  }
0x8e: {  	[smem:$0x3FC2] =	sst s2  }
0x8f: {  	_ = 	snop  }
0x90: {  	s18 =	sld [smem:$0x3FC9]  }
0x91: {  	s4 =	sld [smem:$0x3FC7];
	(tm) =	ssettm $0x1  }
0x92: {  	s19 =	sld [smem:$0x3FFB];
	_ =	sdelay $0x3  }
0x93: {  	_ =	strace s19  }
0x94: {  	s2 =	sld [smem:$0x3FFC];
	_ =	sdelay $0x3  }
0x95: {  	_ =	strace s2  }
0x96: {  	s2 =	sld [smem:$0x3FFD];
	_ =	sdelay $0x3  }
0x97: {  	_ =	strace s2  }
0x98: {  	_ =	strace $0x8FFFFFFF  }
0x99: {  	s20 =	sld [smem:$0x3FDB];
	_ =	sdelay $0x1  }
0x9a: {  	s5 =	simm.s32 $_scs_section_size  }
0x9b: {  	s6 =	simm.s32 $_size__tile_overlayer_lowered;
	s7 =	simm.s32 $_tile_overlayer_lowered  }
0x9c: {  	s8 =	simm.s32 $0x1BFF;
	s21 =	sshll.u32 s7, $0x1;
	s5 =	sadd.s32 s5, s20  }
0x9d: {  	s22 =	simm.s32 $0x0;
	s6 =	sshll.u32 s6, $0x1;
	s7 =	sadd.s32 s21, s5  }
0x9e: {  	[timem:s22], [sflag:s8] =	dma.local [hbm:s7], s6  }
0x9f: {  	_ =	swait.ge [sflag:s8], s6  }
0xa0: {  	s6 =	ssub.s32 $0x0, s6;
	[sflag:s8] =	ssyncset.done $0x0  }
0xa1: {  	[sflag:s8] =	ssyncadd.s32 s6;
	_ =	sdelay $0x1  }
0xa2: {  	s23 =	simm.s32 $0x1B8B  }
0xa3: {  	_ =	swait.ge [sflag:s23], $0x1  }
0xa4: {  	[sflag:s23] =	ssyncset.done $0x0  }
0xa5: {  	[sflag:s23] =	ssyncadd.s32 $0xFFFFFFFF  }
0xa6: {  	s6 =	sld [smem:$0x0]  }
0xa7: {  	s7 =	sand.u32 $0xFFFFFFFE, s1  }
0xa8: {  	p0 =	sne.s32 s1, s7  }
0xa9: {  	s7 =	sshll.u32 @p0 s7, $0xE  }
0xaa: {  	s7 =	sadd.s32 @p0 $0x11B8D, s7;
	s8 =	sshll.u32 @p0 s6, $0x11  }
0xab: {  	s7 =	sor.u32 @p0 s8, s7  }
0xac: {  	[sflag:s7] =	ssyncadd.remote.s32 @p0 $0x1;
	_ =	sdelay $0x1  }
0xad: {  	s7 =	simm.s32 @p0 $0x1B8D  }
0xae: {  	_ =	swait.eq @p0 [sflag:s7], $0x1  }
0xaf: {  	[sflag:s7] =	ssyncadd.s32 @p0 $0xFFFFFFFF  }
0xb0: {  	s8 =	sshll.u32 @!p0 s1, $0xE  }
0xb1: {  	s8 =	sor.u32 @!p0 $0x4000, s8;
	s7 =	simm.s32 @!p0 $0x1B8D  }
0xb2: {  	s6 =	sshll.u32 @!p0 s6, $0x11;
	s8 =	sadd.s32 @!p0 $0x11B8D, s8;
	_ =	swait.eq @!p0 [sflag:s7], $0x1  }
0xb3: {  	s6 =	sor.u32 @!p0 s6, s8;
	[sflag:s7] =	ssyncadd.s32 @!p0 $0xFFFFFFFF  }
0xb4: {  	s25 =	simm.s32 $0x1B8E;
	s24 =	sld [smem:$0x3FFE];
	[sflag:s6] =	ssyncadd.remote.s32 @!p0 $0x1  }
0xb5: {  	s26 =	simm.s32 $execute0_lowered;
	[smem:$0x3FD2] =	sst s25  }
0xb6: {  	s7 =	sshll.u32 s26, $0x1;
	_ =	strace $0x80000049;
	[dreg:$0x1] =	wrdreg $0xFFFFFFFF  }
0xb7: {  	s28 =	simm.s32 $_size_execute0_lowered;
	s5 =	sadd.s32 s5, s7;
	[dreg:$0x0] =	wrdreg $0x0  }
0xb8: {  	s7 =	sshll.u32 s28, $0x1;
	[dreg:$0x2] =	wrdreg s5  }
0xb9: {  	[dreg:$0x3] =	wrdreg s7  }
0xba: {  	[dreg:$0x4] =	wrdreg $0xC0  }
0xbb: {  	_ =	task [dreg:s22], $0x5FFFF  }
0xbc: {  	[dreg:$0x1] =	wrdreg $0xFFFFFFFF  }
0xbd: {  	[dreg:$0x0] =	wrdreg $0x60  }
0xbe: {  	[dreg:$0x2] =	wrdreg s4  }
0xbf: {  	[dreg:$0x3] =	wrdreg s18  }
0xc0: {  	[dreg:$0x4] =	wrdreg s24  }
0xc1: {  	[dreg:$0x5] =	wrdreg $0xA  }
0xc2: {  	_ =	task.clear_ibuf [dreg:s22], $0x6FFFF;
	_ =	strace $0x90000049  }
0xc3: {  	s29 =	simm.s32 $0xA;
	_ =	strace $0x8000004B  }
0xc4: {  	_ =	swait.ge [sflag:s29], $0x1  }
0xc5: {  	[sflag:s29] =	ssyncadd.s32 $0xFFFFFFFF  }
0xc6: {  	_ =	strace $0x9000004B  }
0xc7: {  	_ =	sfence  }
0xc8: {  	s30 =	sld [smem:$0x0];
	_ =	sdelay $0x2  }
0xc9: {  	s31 =	sshll.u32 s1, $0xD;
	s1 =	sshrl.u32 s1, $0x2  }
0xca: {  	s4 =	sand.u32 $0x4000, s31;
	s1 =	sadd.s32 s1, s30  }
0xcb: {  	s0 =	sor.u32 s4, s0;
	s1 =	sshll.u32 s1, $0x11  }
0xcc: {  	s0 =	sor.u32 s1, s0  }
0xcd: {  	s0 =	sadd.s32 $0x8F2B, s0  }
0xce: {  	[sflag:s0] =	ssyncadd.remote.s32 $0x1  }
0xcf: {  	_ =	sfence.sel $0xFFFF  }
0xd0: {  	[dreg:$0x0] =	wrdreg $0xFFFFFFFF;
	(pc) =	sbr.abs _section_cstart, $3  }
0xd1: {  	[dreg:$0x1] =	wrdreg $0xFFFFFFFF  }
0xd2: {  	_ =	task.clear_ibuf [dreg:s22], $0x2FFFF;
	_ =	strace $0x9FFFFFFF  }
0xd3: {  	(tm) =	ssettm $0x7FFFFFFF  }
tec
execute0_lowered:
.L_overlay_start_1:
0x0: {  	(tag) =	ssettag $0x1  }
0x1: {  	s0 =	srdreg.scid;
	s1 =	rddreg [dreg:$0x0]  }
0x2: {  	s3 =	stileid.u32;
	s2 =	rddreg [dreg:$0x1]  }
0x3: {  	s5 =	rddreg [dreg:$0x2];
	s17 =	simm.s32 $0x80;
	s30 =	simm.s32 $0x880  }
0x4: {  	s31 =	simm.s32 $0x1080;
	s12 =	simm.s32 $0x3080;
	s0 =	sand.u32 $0x1, s0  }
0x5: {  	s13 =	simm.s32 $0x3880;
	s3 =	sshll.u32 s3, $0x8;
	s4 =	sshll.u32 s0, $0x7  }
0x6: {  	s14 =	simm.s32 $0x4880;
	s15 =	simm.s32 $0x5080;
	s4 =	sor.u32 s4, s3  }
0x7: {  	s16 =	simm.s32 $0x5880;
	s18 =	simm.s32 $0x6080;
	s6 =	sshrl.u32 s4, $0x3  }
0x8: {  	s3 =	simm.s32 $0x0;
	s4 =	sshll.u32 s4, $0x7;
	s2 =	sadd.s32 s6, s2  }
0x9: {  	[smem:$0x7FF] =	sst s3;
	s5 =	sadd.s32 s4, s5;
	s2 =	sadd.s32 $0x600, s2  }
0xa: {  	_ =	strace $0x8000004A;
	s19 =	sadd.s32 $0x181200, s5;
	[dreg:$0x4] =	wrdreg s2  }
0xb: {  	s28 =	simm.s32 $0xC080;
	s20 =	sadd.s32 $0x181A00, s5;
	[dreg:$0x5] =	wrdreg s19  }
0xc: {  	s0 =	ssub.s32 $0x2, s0;
	s21 =	sadd.s32 $0x182200, s5;
	[dreg:$0x6] =	wrdreg s20  }
0xd: {  	s24 =	sshrl.u32 s0, $0x1;
	s22 =	sadd.s32 $0x182A00, s5;
	[dreg:$0x7] =	wrdreg s21  }
0xe: {  	s0 =	ssub.s32 s0, s24;
	s23 =	sadd.s32 $0x183200, s5;
	[dreg:$0x8] =	wrdreg s22  }
0xf: {  	s24 =	simm.s32 $0xA880;
	s25 =	sadd.s32 $0x183A00, s5;
	[dreg:$0x9] =	wrdreg s23  }
0x10: {  	s4 =	sadd.s32 $0x100, s1;
	s26 =	sadd.s32 $0x184200, s5;
	[dreg:$0xa] =	wrdreg s25  }
0x11: {  	s6 =	sadd.s32 $0x300, s1;
	s29 =	sadd.s32 $0x184A00, s5;
	[dreg:$0xb] =	wrdreg s26  }
0x12: {  	v2 =	vlaneseq.u32;
	s7 =	smax.u32 s0, $0x1;
	s5 =	sadd.s32 $0x200, s1;
	[dreg:$0xc] =	wrdreg s29  }
0x13: {  	vm0 =	vmmov $0xffff;
	v1 =	vshrl.u32 v2, $0x3;
	s22 =	simm.s32 $0x8;
	s25 =	simm.s32 $0x4080;
	s19 =	simm.s32 $0x8080  }
0x14: {  	v0 =	vand.u32 $0x7, v2;
	v2 =	vor.u32 $0x8, v2;
	v1 =	vmul.u32 $0x8, v1;
	s23 =	simm.s32 $0xA080;
	s26 =	simm.s32 $0xB080;
	s21 =	simm.s32 $0x5  }
.LBB2_1:
0x15: {  	s29 =	rddreg [dreg:$0x4];
	s0 =	simm.s32 $0x9  }
0x16: {  	[tilespmem:s3], [sflag:$0x9] =	stream.linear.gather [hbm4b:s29+s3], $0x80, $0x38;
	[tilespmem:$0x10080] =	vst v63  }
0x17: {  	_ =	swait.ge [sflag:s0], $0x80  }
0x18: {  	[sflag:s0] =	ssyncset.done $0x0  }
0x19: {  	[sflag:s0] =	ssyncadd.s32 $0xFFFFFF80  }
0x1a: {  	v3 =	vld [tilespmem:$0x0];
	_ =	sdelay $0x4  }
0x1b: {  	v4 =	vshll.u32 v3, $0x3  }
0x1c: {  	v3 =	vand.u32 $0x7, v3;
	v4 =	vand.u32 $0xFFFFFFC0, v4  }
0x1d: {  	v3 =	vor.u32 v3, v4  }
0x1e: {  	v4 =	vperm.xlane v3, v0;
	_ =	sdelay $0x1  }
0x1f: {  	v4 =	vadd.s32 v1, v4;
	_ =	sdelay $0x4  }
0x20: {  	[tilespmem:s17], [sflag:$0x1] =	stream.indirect_vreg.gather [hbm4b:s1+s3], $0x80, v4, vm0, $0xb8;
	[tilespmem:$0x10080] =	vst v63  }
0x21: {  	v3 =	vperm.xlane v3, v2  }
0x22: {  	[tilespmem:s30], [sflag:$0x1] =	stream.indirect_vreg.gather [hbm4b:s4+s3], $0x80, v4, vm0, $0xb8;
	[tilespmem:$0x10080] =	vst v63  }
0x23: {  	v3 =	vadd.s32 v1, v3  }
0x24: {  	[tilespmem:s31], [sflag:$0x1] =	stream.indirect_vreg.gather [hbm4b:s5+s3], $0x80, v4, vm0, $0xb8;
	[tilespmem:$0x10080] =	vst v63  }
0x25: {  	s2 =	simm.s32 $0x1880  }
0x26: {  	[tilespmem:s2], [sflag:$0x1] =	stream.indirect_vreg.gather [hbm4b:s6+s3], $0x80, v4, vm0, $0xb8;
	[tilespmem:$0x10080] =	vst v63  }
0x27: {  	s0 =	simm.s32 $0x2080  }
0x28: {  	[tilespmem:s0], [sflag:$0x1] =	stream.indirect_vreg.gather [hbm4b:s1+s3], $0x80, v3, vm0, $0xb8;
	[tilespmem:$0x10080] =	vst v63  }
0x29: {  	s11 =	simm.s32 $0x2880  }
0x2a: {  	[tilespmem:s11], [sflag:$0x1] =	stream.indirect_vreg.gather [hbm4b:s4+s3], $0x80, v3, vm0, $0xb8;
	[tilespmem:$0x10080] =	vst v63  }
0x2b: {  	_ = 	snop  }
0x2c: {  	[tilespmem:s12], [sflag:$0x1] =	stream.indirect_vreg.gather [hbm4b:s5+s3], $0x80, v3, vm0, $0xb8;
	[tilespmem:$0x10080] =	vst v63  }
0x2d: {  	_ = 	snop  }
0x2e: {  	[tilespmem:s13], [sflag:$0x1] =	stream.indirect_vreg.gather [hbm4b:s6+s3], $0x80, v3, vm0, $0xb8;
	[tilespmem:$0x10080] =	vst v63  }
0x2f: {  	v3 =	vld [tilespmem:$0x10];
	_ =	sdelay $0x4  }
0x30: {  	v57 =	vshll.u32 v3, $0x3  }
0x31: {  	v3 =	vand.u32 $0x7, v3;
	v4 =	vand.u32 $0xFFFFFFC0, v57  }
0x32: {  	v3 =	vor.u32 v3, v4  }
0x33: {  	v4 =	vperm.xlane v3, v0;
	_ =	sdelay $0x1  }
0x34: {  	v4 =	vadd.s32 v1, v4;
	_ =	sdelay $0x4  }
0x35: {  	[tilespmem:s25], [sflag:$0x2] =	stream.indirect_vreg.gather [hbm4b:s1+s3], $0x80, v4, vm0, $0xb8;
	[tilespmem:$0x10080] =	vst v63  }
0x36: {  	v3 =	vperm.xlane v3, v2  }
0x37: {  	[tilespmem:s14], [sflag:$0x2] =	stream.indirect_vreg.gather [hbm4b:s4+s3], $0x80, v4, vm0, $0xb8;
	[tilespmem:$0x10080] =	vst v63  }
0x38: {  	v3 =	vadd.s32 v1, v3  }
0x39: {  	[tilespmem:s15], [sflag:$0x2] =	stream.indirect_vreg.gather [hbm4b:s5+s3], $0x80, v4, vm0, $0xb8;
	[tilespmem:$0x10080] =	vst v63  }
0x3a: {  	_ = 	snop  }
0x3b: {  	[tilespmem:s16], [sflag:$0x2] =	stream.indirect_vreg.gather [hbm4b:s6+s3], $0x80, v4, vm0, $0xb8;
	[tilespmem:$0x10080] =	vst v63  }
0x3c: {  	_ = 	snop  }
0x3d: {  	[tilespmem:s18], [sflag:$0x2] =	stream.indirect_vreg.gather [hbm4b:s1+s3], $0x80, v3, vm0, $0xb8;
	[tilespmem:$0x10080] =	vst v63  }
0x3e: {  	s8 =	simm.s32 $0x6880  }
0x3f: {  	[tilespmem:s8], [sflag:$0x2] =	stream.indirect_vreg.gather [hbm4b:s4+s3], $0x80, v3, vm0, $0xb8;
	[tilespmem:$0x10080] =	vst v63  }
0x40: {  	s9 =	simm.s32 $0x7080  }
0x41: {  	[tilespmem:s9], [sflag:$0x2] =	stream.indirect_vreg.gather [hbm4b:s5+s3], $0x80, v3, vm0, $0xb8;
	[tilespmem:$0x10080] =	vst v63  }
0x42: {  	s10 =	simm.s32 $0x7880  }
0x43: {  	[tilespmem:s10], [sflag:$0x2] =	stream.indirect_vreg.gather [hbm4b:s6+s3], $0x80, v3, vm0, $0xb8;
	[tilespmem:$0x10080] =	vst v63  }
0x44: {  	v3 =	vld [tilespmem:$0x20];
	_ =	sdelay $0x4  }
0x45: {  	v58 =	vshll.u32 v3, $0x3  }
0x46: {  	v3 =	vand.u32 $0x7, v3;
	v4 =	vand.u32 $0xFFFFFFC0, v58  }
0x47: {  	v3 =	vor.u32 v3, v4  }
0x48: {  	v4 =	vperm.xlane v3, v0;
	_ =	sdelay $0x1  }
0x49: {  	v4 =	vadd.s32 v1, v4;
	_ =	sdelay $0x4  }
0x4a: {  	[tilespmem:s19], [sflag:$0x3] =	stream.indirect_vreg.gather [hbm4b:s1+s3], $0x80, v4, vm0, $0xb8;
	[tilespmem:$0x10080] =	vst v63  }
0x4b: {  	s20 =	simm.s32 $0x8880;
	v3 =	vperm.xlane v3, v2  }
0x4c: {  	[tilespmem:s20], [sflag:$0x3] =	stream.indirect_vreg.gather [hbm4b:s4+s3], $0x80, v4, vm0, $0xb8;
	[tilespmem:$0x10080] =	vst v63  }
0x4d: {  	s29 =	simm.s32 $0x9080;
	v3 =	vadd.s32 v1, v3  }
0x4e: {  	[tilespmem:s29], [sflag:$0x3] =	stream.indirect_vreg.gather [hbm4b:s5+s3], $0x80, v4, vm0, $0xb8;
	[tilespmem:$0x10080] =	vst v63  }
0x4f: {  	s29 =	simm.s32 $0x9880  }
0x50: {  	[tilespmem:s29], [sflag:$0x3] =	stream.indirect_vreg.gather [hbm4b:s6+s3], $0x80, v4, vm0, $0xb8;
	[tilespmem:$0x10080] =	vst v63  }
0x51: {  	_ = 	snop  }
0x52: {  	[tilespmem:s23], [sflag:$0x3] =	stream.indirect_vreg.gather [hbm4b:s1+s3], $0x80, v3, vm0, $0xb8;
	[tilespmem:$0x10080] =	vst v63  }
0x53: {  	_ = 	snop  }
0x54: {  	[tilespmem:s24], [sflag:$0x3] =	stream.indirect_vreg.gather [hbm4b:s4+s3], $0x80, v3, vm0, $0xb8;
	[tilespmem:$0x10080] =	vst v63  }
0x55: {  	_ = 	snop  }
0x56: {  	[tilespmem:s26], [sflag:$0x3] =	stream.indirect_vreg.gather [hbm4b:s5+s3], $0x80, v3, vm0, $0xb8;
	[tilespmem:$0x10080] =	vst v63  }
0x57: {  	s29 =	simm.s32 $0xB880  }
0x58: {  	[tilespmem:s29], [sflag:$0x3] =	stream.indirect_vreg.gather [hbm4b:s6+s3], $0x80, v3, vm0, $0xb8;
	[tilespmem:$0x10080] =	vst v63  }
0x59: {  	v3 =	vld [tilespmem:$0x30];
	_ =	sdelay $0x4  }
0x5a: {  	v59 =	vshll.u32 v3, $0x3  }
0x5b: {  	v3 =	vand.u32 $0x7, v3;
	v4 =	vand.u32 $0xFFFFFFC0, v59  }
0x5c: {  	v3 =	vor.u32 v3, v4  }
0x5d: {  	v4 =	vperm.xlane v3, v0;
	_ =	sdelay $0x1  }
0x5e: {  	v4 =	vadd.s32 v1, v4;
	_ =	sdelay $0x4  }
0x5f: {  	[tilespmem:s28], [sflag:$0x4] =	stream.indirect_vreg.gather [hbm4b:s1+s3], $0x80, v4, vm0, $0xb8;
	[tilespmem:$0x10080] =	vst v63  }
0x60: {  	s29 =	simm.s32 $0xC880;
	v3 =	vperm.xlane v3, v2  }
0x61: {  	[tilespmem:s29], [sflag:$0x4] =	stream.indirect_vreg.gather [hbm4b:s4+s3], $0x80, v4, vm0, $0xb8;
	[tilespmem:$0x10080] =	vst v63  }
0x62: {  	v3 =	vadd.s32 v1, v3;
	s29 =	simm.s32 $0xD080  }
0x63: {  	[tilespmem:s29], [sflag:$0x4] =	stream.indirect_vreg.gather [hbm4b:s5+s3], $0x80, v4, vm0, $0xb8;
	[tilespmem:$0x10080] =	vst v63  }
0x64: {  	s29 =	simm.s32 $0xD880  }
0x65: {  	[tilespmem:s29], [sflag:$0x4] =	stream.indirect_vreg.gather [hbm4b:s6+s3], $0x80, v4, vm0, $0xb8;
	[tilespmem:$0x10080] =	vst v63  }
0x66: {  	s29 =	simm.s32 $0xE080  }
0x67: {  	[tilespmem:s29], [sflag:$0x4] =	stream.indirect_vreg.gather [hbm4b:s1+s3], $0x80, v3, vm0, $0xb8;
	[tilespmem:$0x10080] =	vst v63  }
0x68: {  	s29 =	simm.s32 $0xE880  }
0x69: {  	[tilespmem:s29], [sflag:$0x4] =	stream.indirect_vreg.gather [hbm4b:s4+s3], $0x80, v3, vm0, $0xb8;
	[tilespmem:$0x10080] =	vst v63  }
0x6a: {  	s29 =	simm.s32 $0xF080  }
0x6b: {  	[tilespmem:s29], [sflag:$0x4] =	stream.indirect_vreg.gather [hbm4b:s5+s3], $0x80, v3, vm0, $0xb8;
	[tilespmem:$0x10080] =	vst v63  }
0x6c: {  	s20 =	simm.s32 $0x1;
	s29 =	simm.s32 $0xF880  }
0x6d: {  	[tilespmem:s29], [sflag:$0x4] =	stream.indirect_vreg.gather [hbm4b:s6+s3], $0x80, v3, vm0, $0xb8;
	[tilespmem:$0x10080] =	vst v63  }
0x6e: {  	_ =	swait.ge [sflag:s20], $0x4000  }
0x6f: {  	[sflag:s20] =	ssyncset.done $0x0  }
0x70: {  	s29 =	rddreg [dreg:$0x5];
	[sflag:s20] =	ssyncadd.s32 $0xFFFFC000  }
0x71: {  	[hbm4b:s29+s3] =	stream.linear.scatter [tilespmem:s17], [sflag:$0x5], $0x4000, $0x38;
	[tilespmem:$0x10080] =	vst v63  }
0x72: {  	_ =	swait.ge [sflag:s21], $0x4000  }
0x73: {  	[sflag:s21] =	ssyncset.done $0x0  }
0x74: {  	[sflag:s21] =	ssyncadd.s32 $0xFFFFC000  }
0x75: {  	v3 =	vld [tilespmem:$0x40];
	_ =	sdelay $0x4  }
0x76: {  	v60 =	vshll.u32 v3, $0x3  }
0x77: {  	v3 =	vand.u32 $0x7, v3;
	v4 =	vand.u32 $0xFFFFFFC0, v60  }
0x78: {  	v3 =	vor.u32 v3, v4  }
0x79: {  	v4 =	vperm.xlane v3, v0;
	_ =	sdelay $0x1  }
0x7a: {  	v4 =	vadd.s32 v1, v4;
	_ =	sdelay $0x4  }
0x7b: {  	[tilespmem:s17], [sflag:$0x1] =	stream.indirect_vreg.gather [hbm4b:s1+s3], $0x80, v4, vm0, $0xb8;
	[tilespmem:$0x10080] =	vst v63  }
0x7c: {  	v3 =	vperm.xlane v3, v2  }
0x7d: {  	[tilespmem:s30], [sflag:$0x1] =	stream.indirect_vreg.gather [hbm4b:s4+s3], $0x80, v4, vm0, $0xb8;
	[tilespmem:$0x10080] =	vst v63  }
0x7e: {  	v3 =	vadd.s32 v1, v3  }
0x7f: {  	[tilespmem:s31], [sflag:$0x1] =	stream.indirect_vreg.gather [hbm4b:s5+s3], $0x80, v4, vm0, $0xb8;
	[tilespmem:$0x10080] =	vst v63  }
0x80: {  	_ = 	snop  }
0x81: {  	[tilespmem:s2], [sflag:$0x1] =	stream.indirect_vreg.gather [hbm4b:s6+s3], $0x80, v4, vm0, $0xb8;
	[tilespmem:$0x10080] =	vst v63  }
0x82: {  	_ = 	snop  }
0x83: {  	[tilespmem:s0], [sflag:$0x1] =	stream.indirect_vreg.gather [hbm4b:s1+s3], $0x80, v3, vm0, $0xb8;
	[tilespmem:$0x10080] =	vst v63  }
0x84: {  	_ = 	snop  }
0x85: {  	[tilespmem:s11], [sflag:$0x1] =	stream.indirect_vreg.gather [hbm4b:s4+s3], $0x80, v3, vm0, $0xb8;
	[tilespmem:$0x10080] =	vst v63  }
0x86: {  	_ = 	snop  }
0x87: {  	[tilespmem:s12], [sflag:$0x1] =	stream.indirect_vreg.gather [hbm4b:s5+s3], $0x80, v3, vm0, $0xb8;
	[tilespmem:$0x10080] =	vst v63  }
0x88: {  	s0 =	simm.s32 $0x2  }
0x89: {  	[tilespmem:s13], [sflag:$0x1] =	stream.indirect_vreg.gather [hbm4b:s6+s3], $0x80, v3, vm0, $0xb8;
	[tilespmem:$0x10080] =	vst v63  }
0x8a: {  	_ =	swait.ge [sflag:s0], $0x4000  }
0x8b: {  	[sflag:s0] =	ssyncset.done $0x0  }
0x8c: {  	s2 =	rddreg [dreg:$0x6];
	[sflag:s0] =	ssyncadd.s32 $0xFFFFC000  }
0x8d: {  	[hbm4b:s2+s3] =	stream.linear.scatter [tilespmem:s25], [sflag:$0x6], $0x4000, $0x38;
	[tilespmem:$0x10080] =	vst v63  }
0x8e: {  	s2 =	simm.s32 $0x6  }
0x8f: {  	_ =	swait.ge [sflag:s2], $0x4000  }
0x90: {  	[sflag:s2] =	ssyncset.done $0x0  }
0x91: {  	[sflag:s2] =	ssyncadd.s32 $0xFFFFC000  }
0x92: {  	v3 =	vld [tilespmem:$0x50];
	_ =	sdelay $0x4  }
0x93: {  	v61 =	vshll.u32 v3, $0x3  }
0x94: {  	v3 =	vand.u32 $0x7, v3;
	v4 =	vand.u32 $0xFFFFFFC0, v61  }
0x95: {  	v3 =	vor.u32 v3, v4  }
0x96: {  	v4 =	vperm.xlane v3, v0;
	_ =	sdelay $0x1  }
0x97: {  	v4 =	vadd.s32 v1, v4;
	_ =	sdelay $0x4  }
0x98: {  	[tilespmem:s25], [sflag:$0x2] =	stream.indirect_vreg.gather [hbm4b:s1+s3], $0x80, v4, vm0, $0xb8;
	[tilespmem:$0x10080] =	vst v63  }
0x99: {  	v3 =	vperm.xlane v3, v2  }
0x9a: {  	[tilespmem:s14], [sflag:$0x2] =	stream.indirect_vreg.gather [hbm4b:s4+s3], $0x80, v4, vm0, $0xb8;
	[tilespmem:$0x10080] =	vst v63  }
0x9b: {  	v3 =	vadd.s32 v1, v3  }
0x9c: {  	[tilespmem:s15], [sflag:$0x2] =	stream.indirect_vreg.gather [hbm4b:s5+s3], $0x80, v4, vm0, $0xb8;
	[tilespmem:$0x10080] =	vst v63  }
0x9d: {  	_ = 	snop  }
0x9e: {  	[tilespmem:s16], [sflag:$0x2] =	stream.indirect_vreg.gather [hbm4b:s6+s3], $0x80, v4, vm0, $0xb8;
	[tilespmem:$0x10080] =	vst v63  }
0x9f: {  	_ = 	snop  }
0xa0: {  	[tilespmem:s18], [sflag:$0x2] =	stream.indirect_vreg.gather [hbm4b:s1+s3], $0x80, v3, vm0, $0xb8;
	[tilespmem:$0x10080] =	vst v63  }
0xa1: {  	_ = 	snop  }
0xa2: {  	[tilespmem:s8], [sflag:$0x2] =	stream.indirect_vreg.gather [hbm4b:s4+s3], $0x80, v3, vm0, $0xb8;
	[tilespmem:$0x10080] =	vst v63  }
0xa3: {  	_ = 	snop  }
0xa4: {  	[tilespmem:s9], [sflag:$0x2] =	stream.indirect_vreg.gather [hbm4b:s5+s3], $0x80, v3, vm0, $0xb8;
	[tilespmem:$0x10080] =	vst v63  }
0xa5: {  	s8 =	simm.s32 $0x3  }
0xa6: {  	[tilespmem:s10], [sflag:$0x2] =	stream.indirect_vreg.gather [hbm4b:s6+s3], $0x80, v3, vm0, $0xb8;
	[tilespmem:$0x10080] =	vst v63  }
0xa7: {  	_ =	swait.ge [sflag:s8], $0x4000  }
0xa8: {  	[sflag:s8] =	ssyncset.done $0x0  }
0xa9: {  	s9 =	simm.s32 $0x7;
	s10 =	rddreg [dreg:$0x7];
	[sflag:s8] =	ssyncadd.s32 $0xFFFFC000  }
0xaa: {  	[hbm4b:s10+s3] =	stream.linear.scatter [tilespmem:s19], [sflag:$0x7], $0x4000, $0x38;
	[tilespmem:$0x10080] =	vst v63  }
0xab: {  	_ =	swait.ge [sflag:s9], $0x4000  }
0xac: {  	[sflag:s9] =	ssyncset.done $0x0  }
0xad: {  	[sflag:s9] =	ssyncadd.s32 $0xFFFFC000  }
0xae: {  	v3 =	vld [tilespmem:$0x60];
	_ =	sdelay $0x4  }
0xaf: {  	v62 =	vshll.u32 v3, $0x3  }
0xb0: {  	v3 =	vand.u32 $0x7, v3;
	v4 =	vand.u32 $0xFFFFFFC0, v62  }
0xb1: {  	v3 =	vor.u32 v3, v4  }
0xb2: {  	v4 =	vperm.xlane v3, v0;
	_ =	sdelay $0x1  }
0xb3: {  	v4 =	vadd.s32 v1, v4;
	_ =	sdelay $0x4  }
0xb4: {  	[tilespmem:s19], [sflag:$0x3] =	stream.indirect_vreg.gather [hbm4b:s1+s3], $0x80, v4, vm0, $0xb8;
	[tilespmem:$0x10080] =	vst v63  }
0xb5: {  	s11 =	simm.s32 $0x8880;
	v3 =	vperm.xlane v3, v2  }
0xb6: {  	[tilespmem:s11], [sflag:$0x3] =	stream.indirect_vreg.gather [hbm4b:s4+s3], $0x80, v4, vm0, $0xb8;
	[tilespmem:$0x10080] =	vst v63  }
0xb7: {  	s29 =	simm.s32 $0x9080;
	v3 =	vadd.s32 v1, v3  }
0xb8: {  	[tilespmem:s29], [sflag:$0x3] =	stream.indirect_vreg.gather [hbm4b:s5+s3], $0x80, v4, vm0, $0xb8;
	[tilespmem:$0x10080] =	vst v63  }
0xb9: {  	s11 =	simm.s32 $0x9880  }
0xba: {  	[tilespmem:s11], [sflag:$0x3] =	stream.indirect_vreg.gather [hbm4b:s6+s3], $0x80, v4, vm0, $0xb8;
	[tilespmem:$0x10080] =	vst v63  }
0xbb: {  	_ = 	snop  }
0xbc: {  	[tilespmem:s23], [sflag:$0x3] =	stream.indirect_vreg.gather [hbm4b:s1+s3], $0x80, v3, vm0, $0xb8;
	[tilespmem:$0x10080] =	vst v63  }
0xbd: {  	_ = 	snop  }
0xbe: {  	[tilespmem:s24], [sflag:$0x3] =	stream.indirect_vreg.gather [hbm4b:s4+s3], $0x80, v3, vm0, $0xb8;
	[tilespmem:$0x10080] =	vst v63  }
0xbf: {  	_ = 	snop  }
0xc0: {  	[tilespmem:s26], [sflag:$0x3] =	stream.indirect_vreg.gather [hbm4b:s5+s3], $0x80, v3, vm0, $0xb8;
	[tilespmem:$0x10080] =	vst v63  }
0xc1: {  	s10 =	simm.s32 $0x4;
	s29 =	simm.s32 $0xB880  }
0xc2: {  	[tilespmem:s29], [sflag:$0x3] =	stream.indirect_vreg.gather [hbm4b:s6+s3], $0x80, v3, vm0, $0xb8;
	[tilespmem:$0x10080] =	vst v63  }
0xc3: {  	_ =	swait.ge [sflag:s10], $0x4000  }
0xc4: {  	[sflag:s10] =	ssyncset.done $0x0  }
0xc5: {  	s11 =	rddreg [dreg:$0x8];
	[sflag:s10] =	ssyncadd.s32 $0xFFFFC000  }
0xc6: {  	[hbm4b:s11+s3] =	stream.linear.scatter [tilespmem:s28], [sflag:$0x8], $0x4000, $0x38;
	[tilespmem:$0x10080] =	vst v63  }
0xc7: {  	_ =	swait.ge [sflag:s22], $0x4000  }
0xc8: {  	[sflag:s22] =	ssyncset.done $0x0  }
0xc9: {  	[sflag:s22] =	ssyncadd.s32 $0xFFFFC000  }
0xca: {  	v3 =	vld [tilespmem:$0x70];
	_ =	sdelay $0x4  }
0xcb: {  	v63 =	vshll.u32 v3, $0x3  }
0xcc: {  	v3 =	vand.u32 $0x7, v3;
	v4 =	vand.u32 $0xFFFFFFC0, v63  }
0xcd: {  	v3 =	vor.u32 v3, v4  }
0xce: {  	v4 =	vperm.xlane v3, v0;
	_ =	sdelay $0x1  }
0xcf: {  	v4 =	vadd.s32 v1, v4;
	_ =	sdelay $0x4  }
0xd0: {  	[tilespmem:s28], [sflag:$0x4] =	stream.indirect_vreg.gather [hbm4b:s1+s3], $0x80, v4, vm0, $0xb8;
	[tilespmem:$0x10080] =	vst v63  }
0xd1: {  	s29 =	simm.s32 $0xC880;
	v3 =	vperm.xlane v3, v2  }
0xd2: {  	[tilespmem:s29], [sflag:$0x4] =	stream.indirect_vreg.gather [hbm4b:s4+s3], $0x80, v4, vm0, $0xb8;
	[tilespmem:$0x10080] =	vst v63  }
0xd3: {  	v3 =	vadd.s32 v1, v3;
	s29 =	simm.s32 $0xD080  }
0xd4: {  	[tilespmem:s29], [sflag:$0x4] =	stream.indirect_vreg.gather [hbm4b:s5+s3], $0x80, v4, vm0, $0xb8;
	[tilespmem:$0x10080] =	vst v63  }
0xd5: {  	s29 =	simm.s32 $0xD880  }
0xd6: {  	[tilespmem:s29], [sflag:$0x4] =	stream.indirect_vreg.gather [hbm4b:s6+s3], $0x80, v4, vm0, $0xb8;
	[tilespmem:$0x10080] =	vst v63  }
0xd7: {  	s29 =	simm.s32 $0xE080  }
0xd8: {  	[tilespmem:s29], [sflag:$0x4] =	stream.indirect_vreg.gather [hbm4b:s1+s3], $0x80, v3, vm0, $0xb8;
	[tilespmem:$0x10080] =	vst v63  }
0xd9: {  	s29 =	simm.s32 $0xE880  }
0xda: {  	[tilespmem:s29], [sflag:$0x4] =	stream.indirect_vreg.gather [hbm4b:s4+s3], $0x80, v3, vm0, $0xb8;
	[tilespmem:$0x10080] =	vst v63  }
0xdb: {  	s29 =	simm.s32 $0xF080  }
0xdc: {  	[tilespmem:s29], [sflag:$0x4] =	stream.indirect_vreg.gather [hbm4b:s5+s3], $0x80, v3, vm0, $0xb8;
	[tilespmem:$0x10080] =	vst v63  }
0xdd: {  	s29 =	simm.s32 $0xF880  }
0xde: {  	[tilespmem:s29], [sflag:$0x4] =	stream.indirect_vreg.gather [hbm4b:s6+s3], $0x80, v3, vm0, $0xb8;
	[tilespmem:$0x10080] =	vst v63  }
0xdf: {  	_ =	swait.ge [sflag:s20], $0x4000  }
0xe0: {  	[sflag:s20] =	ssyncset.done $0x0  }
0xe1: {  	s11 =	rddreg [dreg:$0x9];
	[sflag:s20] =	ssyncadd.s32 $0xFFFFC000  }
0xe2: {  	[hbm4b:s11+s3] =	stream.linear.scatter [tilespmem:s17], [sflag:$0x5], $0x4000, $0x38;
	[tilespmem:$0x10080] =	vst v63  }
0xe3: {  	_ =	swait.ge [sflag:s21], $0x4000  }
0xe4: {  	[sflag:s21] =	ssyncset.done $0x0  }
0xe5: {  	[sflag:s21] =	ssyncadd.s32 $0xFFFFC000  }
0xe6: {  	_ =	swait.ge [sflag:s0], $0x4000  }
0xe7: {  	[sflag:s0] =	ssyncset.done $0x0  }
0xe8: {  	s20 =	rddreg [dreg:$0xa];
	[sflag:s0] =	ssyncadd.s32 $0xFFFFC000  }
0xe9: {  	[hbm4b:s20+s3] =	stream.linear.scatter [tilespmem:s25], [sflag:$0x6], $0x4000, $0x38;
	[tilespmem:$0x10080] =	vst v63  }
0xea: {  	_ =	swait.ge [sflag:s2], $0x4000  }
0xeb: {  	[sflag:s2] =	ssyncset.done $0x0  }
0xec: {  	[sflag:s2] =	ssyncadd.s32 $0xFFFFC000  }
0xed: {  	_ =	swait.ge [sflag:s8], $0x4000  }
0xee: {  	[sflag:s8] =	ssyncset.done $0x0  }
0xef: {  	s11 =	rddreg [dreg:$0xb];
	[sflag:s8] =	ssyncadd.s32 $0xFFFFC000  }
0xf0: {  	[hbm4b:s11+s3] =	stream.linear.scatter [tilespmem:s19], [sflag:$0x7], $0x4000, $0x38;
	[tilespmem:$0x10080] =	vst v63  }
0xf1: {  	_ =	swait.ge [sflag:s9], $0x4000  }
0xf2: {  	[sflag:s9] =	ssyncset.done $0x0  }
0xf3: {  	[sflag:s9] =	ssyncadd.s32 $0xFFFFC000  }
0xf4: {  	_ =	swait.ge [sflag:s10], $0x4000  }
0xf5: {  	p0 =	sne.s32 s7, $0x1;
	[sflag:s10] =	ssyncset.done $0x0  }
.Ltmp0:
0xf6: {  	s20 =	rddreg [dreg:$0xc];
	[sflag:s10] =	ssyncadd.s32 $0xFFFFC000;
	(pc) =	sbr.rel @p0 .LBB2_1-.Ltmp0, $4  }
0xf7: {  	[hbm4b:s20+s3] =	stream.linear.scatter [tilespmem:s28], [sflag:$0x8], $0x4000, $0x38;
	[tilespmem:$0x10080] =	vst v63  }
0xf8: {  	_ =	swait.ge [sflag:s22], $0x4000  }
0xf9: {  	[sflag:s22] =	ssyncset.done $0x0  }
0xfa: {  	s7 =	sadd.s32 $0xFFFFFFFF, s7;
	[sflag:s22] =	ssyncadd.s32 $0xFFFFC000  }
0xfb: {  	_ =	sfence.sel $0x180000  }
0xfc: {  	[bflag:$0x0] =	sbarrier.arrive $0xFFFF  }
0xfd: {  	_ =	strace $0x9000004A  }
0xfe: {  	s0 =	stileid.u32;
	[bflag:$0x2] =	sbarrier.arrive $0xFFFF  }
0xff: {  	p0 =	sne.s32 s0, $0x0;
	s0 =	rddreg [dreg:$0x3]  }
0x100: {  	s0 =	sadd.s32 @!p0 $0x100000, s0  }
0x101: {  	[sflag:s0] =	ssyncadd.tile.s32 @!p0 $0x1;
	_ =	shalt  }
.Lfunc_end2:
_tile_overlayer_lowered:
.L_overlay_start_2:
0x102: {  	(tag) =	ssettag $0x2  }
0x103: {  	s0 =	rddreg [dreg:$0x0];
	s2 =	stileid.u32  }
0x104: {  	s1 =	rddreg [dreg:$0x1];
	p0 =	sne.s32 s2, $0x0  }
0x105: {  	s3 =	rddreg [dreg:$0x2];
	[bflag:$0x3] =	sbarrier.arrive $0xFFFF;
	s2 =	simm.s32 @!p0 $0x1C09  }
0x106: {  	[timem:s3], [sflag:s2] =	dma.local @!p0 [hbm:s0], s1  }
0x107: {  	s0 =	simm.s32 @!p0 $0x9  }
0x108: {  	_ =	swait.ge @!p0 [sflag:s0], s1  }
0x109: {  	s1 =	ssub.s32 @!p0 $0x0, s1;
	[sflag:s0] =	ssyncset.done @!p0 $0x0  }
0x10a: {  	[sflag:s0] =	ssyncadd.s32 @!p0 s1  }
0x10b: {  	[bflag:$0x3] =	sbarrier.arrive $0xFFFF  }
0x10c: {  	_ =	shalt  }

</sc_bundles>
